<compile_context>
chip_gen: v7x
topology: tpu7x:2x2x1
jax: 0.10.2.dev20260603
libtpu: 0.0.44.dev20260713+nightly
codegen_flags: <defaults>
</compile_context>

<pallas_src>
import functools

import jax
import jax.numpy as jnp
from jax import lax
from jax.experimental import pallas as pl
from jax.experimental.pallas import tpu as pltpu
from jax.experimental.pallas import tpu_sc as plsc

MIN_NORM = 1e-15
EPS = 4e-3
MAX_NORM = 1e6


def _cosh(v):
    return 0.5 * (jnp.exp(v) + jnp.exp(-v))


def _sinh(v):
    return 0.5 * (jnp.exp(v) - jnp.exp(-v))


def _acosh(v):
    return jnp.log(v + jnp.sqrt(v * v - 1.0))


def _tailsq(v):
    return jnp.sum(v * v, axis=-1, keepdims=True) - v[:, 0:1] * v[:, 0:1]


def _proj_row(v, mask0):
    t = jnp.sqrt(jnp.clip(1.0 + _tailsq(v), EPS, None))
    return jnp.where(mask0, t, v)


def _expmap0_row(v, mask0):
    xn = jnp.sqrt(jnp.clip(_tailsq(v), MIN_NORM, None))
    w = (_sinh(xn) / xn) * v
    w = jnp.where(mask0, _cosh(xn), w)
    return _proj_row(w, mask0)


def _logmap0_row(v, mask0):
    yn = jnp.sqrt(jnp.clip(_tailsq(v), MIN_NORM, None))
    theta = jnp.clip(v[:, 0:1], 1.0 + EPS, None)
    w = (_acosh(theta) / yn) * v
    return jnp.where(mask0, 0.0, w)


def _encoder_body(x_ref, w_ref, b_ref, o_ref):
    x = x_ref[...]
    xn = jnp.sqrt(jnp.clip(jnp.sum(x * x, -1, keepdims=True), MIN_NORM, None))
    ys = (_sinh(xn) / xn) * x
    ysq = jnp.sum(ys * ys, -1, keepdims=True)
    t = jnp.sqrt(jnp.clip(1.0 + ysq, EPS, None))
    yn = jnp.sqrt(jnp.clip(ysq, MIN_NORM, None))
    theta = jnp.clip(t, 1.0 + EPS, None)
    ub = (_acosh(theta) / yn) * ys
    mm = lax.dot_general(ub, w_ref[...], (((1,), (1,)), ((), ())),
                         preferred_element_type=jnp.float32)
    mask0 = lax.broadcasted_iota(jnp.int32, mm.shape, 1) == 0
    res = _expmap0_row(mm, mask0)
    b = b_ref[...]
    bmask = lax.broadcasted_iota(jnp.int32, b.shape, 1) == 0
    hb = _expmap0_row(jnp.where(bmask, 0.0, b), bmask)
    lb = _logmap0_row(hb, bmask)
    x0 = res[:, 0:1]
    yn2 = jnp.sqrt(jnp.clip(_tailsq(res), MIN_NORM, None))
    alpha = jnp.sum(res * lb, -1, keepdims=True) / yn2
    vvec = jnp.where(mask0, -yn2, ((1.0 - x0) / yn2) * res)
    w = lb - alpha * vvec
    ux = jnp.sum(res * w, -1, keepdims=True) - x0 * w[:, 0:1]
    v0 = ux / jnp.clip(x0, EPS, None)
    u = jnp.where(mask0, v0, w)
    mdot = jnp.sum(u * u, -1, keepdims=True) - 2.0 * u[:, 0:1] * u[:, 0:1]
    normu = jnp.clip(jnp.sqrt(jnp.clip(mdot, EPS, None)), None, MAX_NORM)
    th = jnp.clip(normu, MIN_NORM, None)
    res2 = _proj_row(_cosh(th) * res + (_sinh(th) / th) * u, mask0)
    res2 = _proj_row(res2, mask0)
    xt = _logmap0_row(res2, mask0)
    o_ref[0] = xt[:, :128]
    o_ref[1] = xt[:, 128:]


def _decoder_body(s_ref, wd_ref, bd_ref, o_ref):
    sup = jnp.concatenate([s_ref[0], s_ref[1]], axis=-1)
    mask0 = lax.broadcasted_iota(jnp.int32, sup.shape, 1) == 0
    h = _expmap0_row(sup, mask0)
    lg = _logmap0_row(h, mask0)
    r = jnp.where(mask0, 0.0, jnp.maximum(lg, 0.0))
    h2 = _expmap0_row(r, mask0)
    hd = _logmap0_row(h2, mask0)
    out = lax.dot_general(hd, wd_ref[...], (((1,), (1,)), ((), ())),
                          preferred_element_type=jnp.float32) + bd_ref[...]
    m = jnp.max(out, -1, keepdims=True)
    z = out - m
    o_ref[...] = z - jnp.log(jnp.sum(jnp.exp(z), -1, keepdims=True))


def _seg_sum_sc(xt2, src, dst, npad, chunks_per_tile, chunk):
    rows_per_tile = npad // 16
    zcopies = rows_per_tile // chunk
    edges_per_tile = chunks_per_tile * chunk
    mesh = plsc.VectorSubcoreMesh(core_axis_name="c", subcore_axis_name="s")

    @functools.partial(
        pl.kernel,
        out_type=jax.ShapeDtypeStruct((2 * npad, 128), jnp.float32),
        mesh=mesh,
        scratch_types=[
            pltpu.VMEM((chunk,), jnp.int32),
            pltpu.VMEM((chunk,), jnp.int32),
            pltpu.VMEM((chunk,), jnp.int32),
            pltpu.VMEM((chunk,), jnp.int32),
            pltpu.VMEM((chunk, 128), jnp.float32),
            pltpu.VMEM((chunk, 128), jnp.float32),
            pltpu.VMEM_SHARED((npad, 128), jnp.float32),
            pltpu.SemaphoreType.DMA,
            pltpu.SemaphoreType.DMA,
        ],
    )
    def seg_kernel(xt_hbm, src_hbm, dst_hbm, out_hbm, sidxa, didxa, sidxb,
                   didxb, rows, rowsb, acc, sema, semb):
        c = lax.axis_index("c")
        s = lax.axis_index("s")
        zeros16 = jnp.zeros((16,), jnp.float32)

        @pl.loop(0, chunk)
        def _(i):
            for j in range(8):
                rows[i, pl.ds(j * 16, 16)] = zeros16

        for m in range(zcopies):
            pltpu.sync_copy(rows,
                            acc.at[pl.ds(s * rows_per_tile + m * chunk,
                                         chunk)])
        plsc.subcore_barrier()

        off = c * npad
        tbase = s * edges_per_tile

        def load(k, si, di):
            pltpu.sync_copy(src_hbm.at[pl.ds(tbase + k * chunk, chunk)], si)
            pltpu.sync_copy(dst_hbm.at[pl.ds(tbase + k * chunk, chunk)], di)
            for j in range(chunk // 16):
                si[pl.ds(j * 16, 16)] = si[pl.ds(j * 16, 16)] + off

        load(0, sidxa, didxa)
        pltpu.async_copy(xt_hbm.at[sidxa], rows, sema)

        @pl.loop(0, chunks_per_tile, step=2)
        def _(k):
            load(k + 1, sidxb, didxb)
            pltpu.async_copy(xt_hbm.at[sidxb], rowsb, semb)
            pltpu.make_async_copy(xt_hbm.at[sidxa], rows, sema).wait()
            pltpu.sync_copy(rows, acc.at[didxa], add=True)

            @pl.when(k + 2 < chunks_per_tile)
            def _():
                load(k + 2, sidxa, didxa)
                pltpu.async_copy(xt_hbm.at[sidxa], rows, sema)

            pltpu.make_async_copy(xt_hbm.at[sidxb], rowsb, semb).wait()
            pltpu.sync_copy(rowsb, acc.at[didxb], add=True)

        plsc.subcore_barrier()
        pltpu.sync_copy(acc.at[pl.ds(s * rows_per_tile, rows_per_tile)],
                        out_hbm.at[pl.ds(off + s * rows_per_tile,
                                         rows_per_tile)])

    return seg_kernel(xt2, src, dst)


def kernel(x, edge_index, W1, b1, Wd, bd):
    n, d_in = x.shape
    d_hid = W1.shape[0]
    d_out = Wd.shape[0]
    e = edge_index.shape[1]

    npad = ((n + 1279) // 1280) * 1280
    chunk = 128
    chunks_per_tile = (e + 16 * chunk - 1) // (16 * chunk)
    chunks_per_tile += chunks_per_tile % 2
    e_pad = 16 * chunks_per_tile * chunk

    blk = 1280
    grid = npad // blk

    xpad = jnp.pad(x, ((0, npad - n), (0, 0)))
    w1b = W1[:, 1:]
    b1r = b1.reshape(1, d_hid)
    bdr = bd.reshape(1, d_out)

    xt2 = pl.pallas_call(
        _encoder_body,
        grid=(grid,),
        in_specs=[
            pl.BlockSpec((blk, d_in), lambda i: (i, 0)),
            pl.BlockSpec((d_hid, d_in), lambda i: (0, 0)),
            pl.BlockSpec((1, d_hid), lambda i: (0, 0)),
        ],
        out_specs=pl.BlockSpec((2, blk, 128), lambda i: (0, i, 0)),
        out_shape=jax.ShapeDtypeStruct((2, npad, 128), jnp.float32),
    )(xpad, w1b, b1r)

    src = jnp.concatenate([edge_index[1],
                           jnp.zeros((e_pad - e,), jnp.int32)])
    dst = jnp.concatenate([edge_index[0],
                           jnp.full((e_pad - e,), n, jnp.int32)])
    supp = _seg_sum_sc(xt2.reshape(2 * npad, 128), src, dst, npad,
                       chunks_per_tile, chunk)

    out = pl.pallas_call(
        _decoder_body,
        grid=(grid,),
        in_specs=[
            pl.BlockSpec((2, blk, 128), lambda i: (0, i, 0)),
            pl.BlockSpec((d_out, d_hid), lambda i: (0, 0)),
            pl.BlockSpec((1, d_out), lambda i: (0, 0)),
        ],
        out_specs=pl.BlockSpec((blk, d_out), lambda i: (i, 0)),
        out_shape=jax.ShapeDtypeStruct((npad, d_out), jnp.float32),
    )(supp.reshape(2, npad, 128), Wd, bdr)

    return out[:n]

# --- scband reference (transcript-rebuilt; emitter-appended) ---
"""Pipeline reference for scband-hgcnconv-31628139168155 (READ-ONLY COPY).

The authoritative reference and input builder live on the scoring server;
editing this copy changes nothing except your own understanding.
"""

import jax, jax.numpy as jnp
import numpy as np

MIN_NORM = 1e-15
EPS = 4e-3
MAX_NORM = 1e6
N_NODES = 10000
N_EDGES = 320000
D_IN = 128
D_HID = 256
D_OUT = 40

# Hyperboloid manifold ops with curvature c = 1.0 (the nn.Parameter init value).

def _norm(y):
    # clamp the squared norm (instead of the norm) for NaN-safe gradients at 0
    return jnp.sqrt(jnp.clip(jnp.sum(y * y, axis=-1, keepdims=True), MIN_NORM, None))

def proj(x):
    y = x[:, 1:]
    t = jnp.sqrt(jnp.clip(1.0 + jnp.sum(y * y, axis=-1, keepdims=True), EPS, None))
    return jnp.concatenate([t, y], axis=-1)

def expmap0(u):
    xs = u[:, 1:]
    xn = _norm(xs)
    res = jnp.concatenate([jnp.cosh(xn), jnp.sinh(xn) * xs / xn], axis=-1)
    return proj(res)

def logmap0(x):
    y = x[:, 1:]
    yn = _norm(y)
    theta = jnp.clip(x[:, 0:1], 1.0 + EPS, None)
    return jnp.concatenate([jnp.zeros_like(theta), jnp.arccosh(theta) * y / yn], axis=-1)

def proj_tan0(u):
    return jnp.concatenate([jnp.zeros_like(u[:, 0:1]), u[:, 1:]], axis=-1)

def proj_tan(u, x):
    ux = jnp.sum(x[:, 1:] * u[:, 1:], axis=-1, keepdims=True)
    v0 = ux / jnp.clip(x[:, 0:1], EPS, None)
    return jnp.concatenate([v0, u[:, 1:]], axis=-1)

def minkowski_norm(u):
    dot = jnp.sum(u * u, axis=-1, keepdims=True) - 2.0 * u[:, 0:1] ** 2
    return jnp.sqrt(jnp.clip(dot, EPS, None))

def expmap(u, x):
    normu = jnp.clip(minkowski_norm(u), None, MAX_NORM)
    theta = jnp.clip(normu, MIN_NORM, None)
    return proj(jnp.cosh(theta) * x + jnp.sinh(theta) * u / theta)

def ptransp0(x, u):
    x0 = x[:, 0:1]
    y = x[:, 1:]
    yn = _norm(y)
    yhat = y / yn
    v = jnp.concatenate([-yn, (1.0 - x0) * yhat], axis=-1)
    alpha = jnp.sum(yhat * u[:, 1:], axis=-1, keepdims=True)
    return proj_tan(u - alpha * v, x)

def mobius_add(x, y):
    return expmap(ptransp0(x, logmap0(y)), x)

def hgcn_forward(x, edge_index, W1, b1, Wd, bd):
    n = x.shape[0]
    # Hyperboloid: prepend zero time coordinate -> feat_dim + 1
    x = jnp.concatenate([jnp.zeros((n, 1), x.dtype), x], axis=-1)
    # encoder: map features onto the hyperboloid
    x_hyp = proj(expmap0(proj_tan0(x)))
    # HypLinear (mobius matvec + hyperbolic bias), dropout omitted (eval mode)
    u = logmap0(x_hyp)
    res = proj(expmap0(u @ W1.T))
    hyp_bias = proj(expmap0(proj_tan0(b1.reshape(1, -1))))
    res = proj(mobius_add(res, hyp_bias))
    # HypAgg: torch.spmm(adj, x_tangent) with adj built from ones at edge_index
    x_t = logmap0(res)
    support = jax.ops.segment_sum(x_t[edge_index[1]], edge_index[0], num_segments=n)
    h = proj(expmap0(support))
    # HypAct (relu), c_in = c_out = 1
    h = proj(expmap0(proj_tan0(jax.nn.relu(logmap0(h)))))
    # LinearDecoder on tangent space at origin
    hd = proj_tan0(logmap0(h))
    out = hd @ Wd.T + bd
    return jax.nn.log_softmax(out, axis=-1)

def setup_inputs(seed: int = 0):
    key = jax.random.key(seed)
    k1, k2, k3, k4, k5 = jax.random.split(key, 5)
    x = jax.random.normal(k1, (N_NODES, D_IN), dtype=jnp.float32) * 0.1
    edge_index = jax.random.randint(k2, (2, N_EDGES), 0, N_NODES, dtype=jnp.int32)
    W1 = jax.random.normal(k3, (D_HID, D_IN + 1), dtype=jnp.float32) * 0.01
    b1 = jax.random.normal(k4, (D_HID,), dtype=jnp.float32) * 0.01
    Wd = jax.random.normal(k5, (D_OUT, D_HID), dtype=jnp.float32) * 0.05
    bd = jnp.zeros((D_OUT,), dtype=jnp.float32)
    return {"x": x, "edge_index": edge_index, "W1": W1, "b1": b1, "Wd": Wd, "bd": bd}

def reference(x, edge_index, W1, b1, Wd, bd):
    return hgcn_forward(x, edge_index, W1, b1, Wd, bd)

if __name__ == "__main__":
    import jax
    _d = setup_inputs()
    print(jax.jit(kernel)(*tuple(_d.values())))

</pallas_src>

<mosaic_0001>
#map = affine_map<(d0, d1) -> (0, 0)>
#map1 = affine_map<(d0, d1) -> (0)>
module attributes {stable_mosaic.version = 14 : i64} {
  func.func @seg_kernel(%arg0: i32, %arg1: i32, %arg2: memref<20480x128xf32, #tpu.memory_space<hbm>>, %arg3: memref<323584xi32, #tpu.memory_space<hbm>>, %arg4: memref<323584xi32, #tpu.memory_space<hbm>>, %arg5: memref<20480x128xf32, #tpu.memory_space<hbm>>, %arg6: memref<128xi32, #tpu.memory_space<vmem>>, %arg7: memref<128xi32, #tpu.memory_space<vmem>>, %arg8: memref<128xi32, #tpu.memory_space<vmem>>, %arg9: memref<128xi32, #tpu.memory_space<vmem>>, %arg10: memref<128x128xf32, #tpu.memory_space<vmem>>, %arg11: memref<128x128xf32, #tpu.memory_space<vmem>>, %arg12: memref<10240x128xf32, #tpu.memory_space<vmem_shared>>, %arg13: memref<!tpu.dma_semaphore, #tpu.memory_space<semaphore_mem>>, %arg14: memref<!tpu.dma_semaphore, #tpu.memory_space<semaphore_mem>>) attributes {dimension_semantics = [#tpu.dimension_semantics<core_parallel>, #tpu.dimension_semantics<subcore_parallel>], iteration_bounds = array<i64: 2, 16>, scalar_prefetch = 0 : i64, scratch_operands = 9 : i64, tpu.core_type = #tpu.core_type<sc_vector_subcore>, window_params = [{transform_indices = #map}, {transform_indices = #map1}, {transform_indices = #map1}, {transform_indices = #map}]} {
    %broadcast_in_dim3A = arith.constant 0.000000e+00 : f32
    %broadcast_in_dim3A_0 = vector.broadcast %broadcast_in_dim3A : f32 to vector<16xf32>
    %scan3A = arith.constant 0 : i32
    %scan3A_1 = arith.constant 128 : i32
    %scan3A_2 = arith.addi %scan3A, %scan3A_1 : i32
    %scan3A_3 = arith.constant 1 : i32
    scf.for %scan3A_114 = %scan3A to %scan3A_2 step %scan3A_3  : i32 {
      %mul3A_115 = arith.constant 1 : i32
      %mul3A_116 = arith.muli %scan3A_114, %mul3A_115 : i32
      %add3A_117 = arith.constant 0 : i32
      %add3A_118 = arith.addi %add3A_117, %mul3A_116 : i32
      %swap3A_119 = arith.index_cast %add3A_118 : i32 to index
      %swap3A_120 = arith.constant 0 : index
      %swap3A_121 = tpu.vector_load %arg10[%swap3A_119, %swap3A_120] {strides = array<i32>} : memref<128x128xf32, #tpu.memory_space<vmem>>, vector<1x16xf32>,
      %swap3A_122 = vector.shape_cast %swap3A_121 : vector<1x16xf32> to vector<16xf32>
      %swap3A_123 = vector.shape_cast %broadcast_in_dim3A_0 : vector<16xf32> to vector<1x16xf32>
      tpu.vector_store %arg10[%swap3A_119, %swap3A_120], %swap3A_123 {strides = array<i32>} : memref<128x128xf32, #tpu.memory_space<vmem>>, vector<1x16xf32>,
      %swap3A_124 = arith.index_cast %add3A_118 : i32 to index
      %swap3A_125 = arith.constant 16 : index
      %swap3A_126 = tpu.vector_load %arg10[%swap3A_124, %swap3A_125] {strides = array<i32>} : memref<128x128xf32, #tpu.memory_space<vmem>>, vector<1x16xf32>,
      %swap3A_127 = vector.shape_cast %swap3A_126 : vector<1x16xf32> to vector<16xf32>
      %swap3A_128 = vector.shape_cast %broadcast_in_dim3A_0 : vector<16xf32> to vector<1x16xf32>
      tpu.vector_store %arg10[%swap3A_124, %swap3A_125], %swap3A_128 {strides = array<i32>} : memref<128x128xf32, #tpu.memory_space<vmem>>, vector<1x16xf32>,
      %swap3A_129 = arith.index_cast %add3A_118 : i32 to index
      %swap3A_130 = arith.constant 32 : index
      %swap3A_131 = tpu.vector_load %arg10[%swap3A_129, %swap3A_130] {strides = array<i32>} : memref<128x128xf32, #tpu.memory_space<vmem>>, vector<1x16xf32>,
      %swap3A_132 = vector.shape_cast %swap3A_131 : vector<1x16xf32> to vector<16xf32>
      %swap3A_133 = vector.shape_cast %broadcast_in_dim3A_0 : vector<16xf32> to vector<1x16xf32>
      tpu.vector_store %arg10[%swap3A_129, %swap3A_130], %swap3A_133 {strides = array<i32>} : memref<128x128xf32, #tpu.memory_space<vmem>>, vector<1x16xf32>,
      %swap3A_134 = arith.index_cast %add3A_118 : i32 to index
      %swap3A_135 = arith.constant 48 : index
      %swap3A_136 = tpu.vector_load %arg10[%swap3A_134, %swap3A_135] {strides = array<i32>} : memref<128x128xf32, #tpu.memory_space<vmem>>, vector<1x16xf32>,
      %swap3A_137 = vector.shape_cast %swap3A_136 : vector<1x16xf32> to vector<16xf32>
      %swap3A_138 = vector.shape_cast %broadcast_in_dim3A_0 : vector<16xf32> to vector<1x16xf32>
      tpu.vector_store %arg10[%swap3A_134, %swap3A_135], %swap3A_138 {strides = array<i32>} : memref<128x128xf32, #tpu.memory_space<vmem>>, vector<1x16xf32>,
      %swap3A_139 = arith.index_cast %add3A_118 : i32 to index
      %swap3A_140 = arith.constant 64 : index
      %swap3A_141 = tpu.vector_load %arg10[%swap3A_139, %swap3A_140] {strides = array<i32>} : memref<128x128xf32, #tpu.memory_space<vmem>>, vector<1x16xf32>,
      %swap3A_142 = vector.shape_cast %swap3A_141 : vector<1x16xf32> to vector<16xf32>
      %swap3A_143 = vector.shape_cast %broadcast_in_dim3A_0 : vector<16xf32> to vector<1x16xf32>
      tpu.vector_store %arg10[%swap3A_139, %swap3A_140], %swap3A_143 {strides = array<i32>} : memref<128x128xf32, #tpu.memory_space<vmem>>, vector<1x16xf32>,
      %swap3A_144 = arith.index_cast %add3A_118 : i32 to index
      %swap3A_145 = arith.constant 80 : index
      %swap3A_146 = tpu.vector_load %arg10[%swap3A_144, %swap3A_145] {strides = array<i32>} : memref<128x128xf32, #tpu.memory_space<vmem>>, vector<1x16xf32>,
      %swap3A_147 = vector.shape_cast %swap3A_146 : vector<1x16xf32> to vector<16xf32>
      %swap3A_148 = vector.shape_cast %broadcast_in_dim3A_0 : vector<16xf32> to vector<1x16xf32>
      tpu.vector_store %arg10[%swap3A_144, %swap3A_145], %swap3A_148 {strides = array<i32>} : memref<128x128xf32, #tpu.memory_space<vmem>>, vector<1x16xf32>,
      %swap3A_149 = arith.index_cast %add3A_118 : i32 to index
      %swap3A_150 = arith.constant 96 : index
      %swap3A_151 = tpu.vector_load %arg10[%swap3A_149, %swap3A_150] {strides = array<i32>} : memref<128x128xf32, #tpu.memory_space<vmem>>, vector<1x16xf32>,
      %swap3A_152 = vector.shape_cast %swap3A_151 : vector<1x16xf32> to vector<16xf32>
      %swap3A_153 = vector.shape_cast %broadcast_in_dim3A_0 : vector<16xf32> to vector<1x16xf32>
      tpu.vector_store %arg10[%swap3A_149, %swap3A_150], %swap3A_153 {strides = array<i32>} : memref<128x128xf32, #tpu.memory_space<vmem>>, vector<1x16xf32>,
      %swap3A_154 = arith.index_cast %add3A_118 : i32 to index
      %swap3A_155 = arith.constant 112 : index
      %swap3A_156 = tpu.vector_load %arg10[%swap3A_154, %swap3A_155] {strides = array<i32>} : memref<128x128xf32, #tpu.memory_space<vmem>>, vector<1x16xf32>,
      %swap3A_157 = vector.shape_cast %swap3A_156 : vector<1x16xf32> to vector<16xf32>
      %swap3A_158 = vector.shape_cast %broadcast_in_dim3A_0 : vector<16xf32> to vector<1x16xf32>
      tpu.vector_store %arg10[%swap3A_154, %swap3A_155], %swap3A_158 {strides = array<i32>} : memref<128x128xf32, #tpu.memory_space<vmem>>, vector<1x16xf32>,
    }
    %scan3A_4 = arith.constant 128 : i32
    %mul3A = arith.constant 640 : i32
    %mul3A_5 = arith.muli %arg1, %mul3A : i32
    %add3A = arith.constant 0 : i32
    %add3A_6 = arith.addi %mul3A_5, %add3A : i32
    "tpu.region"() ({
      %run_scoped3A = tpu.sem_alloc : memref<!tpu.dma_semaphore, #tpu.memory_space<semaphore_mem>>
      %dma_start3A_114 = arith.constant 0 : i32
      %dma_start3A_115 = tpu.memref_slice %arg12[%add3A_6, %dma_start3A_114] : memref<10240x128xf32, #tpu.memory_space<vmem_shared>> -> memref<128x128xf32, #tpu.memory_space<vmem_shared>>
      %dma_start3A_116 = arith.constant 0 : i32
      %dma_start3A_117 = tpu.memref_slice %arg12[%add3A_6, %dma_start3A_116] : memref<10240x128xf32, #tpu.memory_space<vmem_shared>> -> memref<128x128xf32, #tpu.memory_space<vmem_shared>>
      tpu.enqueue_dma source(%arg10 : memref<128x128xf32, #tpu.memory_space<vmem>>) target(%dma_start3A_117 : memref<128x128xf32, #tpu.memory_space<vmem_shared>>) target_semaphore(%run_scoped3A : memref<!tpu.dma_semaphore, #tpu.memory_space<semaphore_mem>>)
      %dma_wait3A = arith.constant 0 : i32
      %dma_wait3A_118 = tpu.memref_slice %arg12[%add3A_6, %dma_wait3A] : memref<10240x128xf32, #tpu.memory_space<vmem_shared>> -> memref<128x128xf32, #tpu.memory_space<vmem_shared>>
      %dma_wait3A_119 = arith.constant 0 : i32
      %dma_wait3A_120 = tpu.memref_slice %arg12[%add3A_6, %dma_wait3A_119] : memref<10240x128xf32, #tpu.memory_space<vmem_shared>> -> memref<128x128xf32, #tpu.memory_space<vmem_shared>>
      tpu.wait_dma2 semaphore(%run_scoped3A : memref<!tpu.dma_semaphore, #tpu.memory_space<semaphore_mem>>) src(%arg10 : memref<128x128xf32, #tpu.memory_space<vmem>>) dst(%dma_wait3A_120 : memref<128x128xf32, #tpu.memory_space<vmem_shared>>)
      tpu.yield
    }) : () -> ()
    %mul3A_7 = arith.constant 640 : i32
    %mul3A_8 = arith.muli %arg1, %mul3A_7 : i32
    %add3A_9 = arith.constant 128 : i32
    %add3A_10 = arith.addi %mul3A_8, %add3A_9 : i32
    "tpu.region"() ({
      %run_scoped3A = tpu.sem_alloc : memref<!tpu.dma_semaphore, #tpu.memory_space<semaphore_mem>>
      %dma_start3A_114 = arith.constant 0 : i32
      %dma_start3A_115 = tpu.memref_slice %arg12[%add3A_10, %dma_start3A_114] : memref<10240x128xf32, #tpu.memory_space<vmem_shared>> -> memref<128x128xf32, #tpu.memory_space<vmem_shared>>
      %dma_start3A_116 = arith.constant 0 : i32
      %dma_start3A_117 = tpu.memref_slice %arg12[%add3A_10, %dma_start3A_116] : memref<10240x128xf32, #tpu.memory_space<vmem_shared>> -> memref<128x128xf32, #tpu.memory_space<vmem_shared>>
      tpu.enqueue_dma source(%arg10 : memref<128x128xf32, #tpu.memory_space<vmem>>) target(%dma_start3A_117 : memref<128x128xf32, #tpu.memory_space<vmem_shared>>) target_semaphore(%run_scoped3A : memref<!tpu.dma_semaphore, #tpu.memory_space<semaphore_mem>>)
      %dma_wait3A = arith.constant 0 : i32
      %dma_wait3A_118 = tpu.memref_slice %arg12[%add3A_10, %dma_wait3A] : memref<10240x128xf32, #tpu.memory_space<vmem_shared>> -> memref<128x128xf32, #tpu.memory_space<vmem_shared>>
      %dma_wait3A_119 = arith.constant 0 : i32
      %dma_wait3A_120 = tpu.memref_slice %arg12[%add3A_10, %dma_wait3A_119] : memref<10240x128xf32, #tpu.memory_space<vmem_shared>> -> memref<128x128xf32, #tpu.memory_space<vmem_shared>>
      tpu.wait_dma2 semaphore(%run_scoped3A : memref<!tpu.dma_semaphore, #tpu.memory_space<semaphore_mem>>) src(%arg10 : memref<128x128xf32, #tpu.memory_space<vmem>>) dst(%dma_wait3A_120 : memref<128x128xf32, #tpu.memory_space<vmem_shared>>)
      tpu.yield
    }) : () -> ()
    %mul3A_11 = arith.constant 640 : i32
    %mul3A_12 = arith.muli %arg1, %mul3A_11 : i32
    %add3A_13 = arith.constant 256 : i32
    %add3A_14 = arith.addi %mul3A_12, %add3A_13 : i32
    "tpu.region"() ({
      %run_scoped3A = tpu.sem_alloc : memref<!tpu.dma_semaphore, #tpu.memory_space<semaphore_mem>>
      %dma_start3A_114 = arith.constant 0 : i32
      %dma_start3A_115 = tpu.memref_slice %arg12[%add3A_14, %dma_start3A_114] : memref<10240x128xf32, #tpu.memory_space<vmem_shared>> -> memref<128x128xf32, #tpu.memory_space<vmem_shared>>
      %dma_start3A_116 = arith.constant 0 : i32
      %dma_start3A_117 = tpu.memref_slice %arg12[%add3A_14, %dma_start3A_116] : memref<10240x128xf32, #tpu.memory_space<vmem_shared>> -> memref<128x128xf32, #tpu.memory_space<vmem_shared>>
      tpu.enqueue_dma source(%arg10 : memref<128x128xf32, #tpu.memory_space<vmem>>) target(%dma_start3A_117 : memref<128x128xf32, #tpu.memory_space<vmem_shared>>) target_semaphore(%run_scoped3A : memref<!tpu.dma_semaphore, #tpu.memory_space<semaphore_mem>>)
      %dma_wait3A = arith.constant 0 : i32
      %dma_wait3A_118 = tpu.memref_slice %arg12[%add3A_14, %dma_wait3A] : memref<10240x128xf32, #tpu.memory_space<vmem_shared>> -> memref<128x128xf32, #tpu.memory_space<vmem_shared>>
      %dma_wait3A_119 = arith.constant 0 : i32
      %dma_wait3A_120 = tpu.memref_slice %arg12[%add3A_14, %dma_wait3A_119] : memref<10240x128xf32, #tpu.memory_space<vmem_shared>> -> memref<128x128xf32, #tpu.memory_space<vmem_shared>>
      tpu.wait_dma2 semaphore(%run_scoped3A : memref<!tpu.dma_semaphore, #tpu.memory_space<semaphore_mem>>) src(%arg10 : memref<128x128xf32, #tpu.memory_space<vmem>>) dst(%dma_wait3A_120 : memref<128x128xf32, #tpu.memory_space<vmem_shared>>)
      tpu.yield
    }) : () -> ()
    %mul3A_15 = arith.constant 640 : i32
    %mul3A_16 = arith.muli %arg1, %mul3A_15 : i32
    %add3A_17 = arith.constant 384 : i32
    %add3A_18 = arith.addi %mul3A_16, %add3A_17 : i32
    "tpu.region"() ({
      %run_scoped3A = tpu.sem_alloc : memref<!tpu.dma_semaphore, #tpu.memory_space<semaphore_mem>>
      %dma_start3A_114 = arith.constant 0 : i32
      %dma_start3A_115 = tpu.memref_slice %arg12[%add3A_18, %dma_start3A_114] : memref<10240x128xf32, #tpu.memory_space<vmem_shared>> -> memref<128x128xf32, #tpu.memory_space<vmem_shared>>
      %dma_start3A_116 = arith.constant 0 : i32
      %dma_start3A_117 = tpu.memref_slice %arg12[%add3A_18, %dma_start3A_116] : memref<10240x128xf32, #tpu.memory_space<vmem_shared>> -> memref<128x128xf32, #tpu.memory_space<vmem_shared>>
      tpu.enqueue_dma source(%arg10 : memref<128x128xf32, #tpu.memory_space<vmem>>) target(%dma_start3A_117 : memref<128x128xf32, #tpu.memory_space<vmem_shared>>) target_semaphore(%run_scoped3A : memref<!tpu.dma_semaphore, #tpu.memory_space<semaphore_mem>>)
      %dma_wait3A = arith.constant 0 : i32
      %dma_wait3A_118 = tpu.memref_slice %arg12[%add3A_18, %dma_wait3A] : memref<10240x128xf32, #tpu.memory_space<vmem_shared>> -> memref<128x128xf32, #tpu.memory_space<vmem_shared>>
      %dma_wait3A_119 = arith.constant 0 : i32
      %dma_wait3A_120 = tpu.memref_slice %arg12[%add3A_18, %dma_wait3A_119] : memref<10240x128xf32, #tpu.memory_space<vmem_shared>> -> memref<128x128xf32, #tpu.memory_space<vmem_shared>>
      tpu.wait_dma2 semaphore(%run_scoped3A : memref<!tpu.dma_semaphore, #tpu.memory_space<semaphore_mem>>) src(%arg10 : memref<128x128xf32, #tpu.memory_space<vmem>>) dst(%dma_wait3A_120 : memref<128x128xf32, #tpu.memory_space<vmem_shared>>)
      tpu.yield
    }) : () -> ()
    %mul3A_19 = arith.constant 640 : i32
    %mul3A_20 = arith.muli %arg1, %mul3A_19 : i32
    %add3A_21 = arith.constant 512 : i32
    %add3A_22 = arith.addi %mul3A_20, %add3A_21 : i32
    "tpu.region"() ({
      %run_scoped3A = tpu.sem_alloc : memref<!tpu.dma_semaphore, #tpu.memory_space<semaphore_mem>>
      %dma_start3A_114 = arith.constant 0 : i32
      %dma_start3A_115 = tpu.memref_slice %arg12[%add3A_22, %dma_start3A_114] : memref<10240x128xf32, #tpu.memory_space<vmem_shared>> -> memref<128x128xf32, #tpu.memory_space<vmem_shared>>
      %dma_start3A_116 = arith.constant 0 : i32
      %dma_start3A_117 = tpu.memref_slice %arg12[%add3A_22, %dma_start3A_116] : memref<10240x128xf32, #tpu.memory_space<vmem_shared>> -> memref<128x128xf32, #tpu.memory_space<vmem_shared>>
      tpu.enqueue_dma source(%arg10 : memref<128x128xf32, #tpu.memory_space<vmem>>) target(%dma_start3A_117 : memref<128x128xf32, #tpu.memory_space<vmem_shared>>) target_semaphore(%run_scoped3A : memref<!tpu.dma_semaphore, #tpu.memory_space<semaphore_mem>>)
      %dma_wait3A = arith.constant 0 : i32
      %dma_wait3A_118 = tpu.memref_slice %arg12[%add3A_22, %dma_wait3A] : memref<10240x128xf32, #tpu.memory_space<vmem_shared>> -> memref<128x128xf32, #tpu.memory_space<vmem_shared>>
      %dma_wait3A_119 = arith.constant 0 : i32
      %dma_wait3A_120 = tpu.memref_slice %arg12[%add3A_22, %dma_wait3A_119] : memref<10240x128xf32, #tpu.memory_space<vmem_shared>> -> memref<128x128xf32, #tpu.memory_space<vmem_shared>>
      tpu.wait_dma2 semaphore(%run_scoped3A : memref<!tpu.dma_semaphore, #tpu.memory_space<semaphore_mem>>) src(%arg10 : memref<128x128xf32, #tpu.memory_space<vmem>>) dst(%dma_wait3A_120 : memref<128x128xf32, #tpu.memory_space<vmem_shared>>)
      tpu.yield
    }) : () -> ()
    %barrier3A = arith.constant 0 : index
    tpu.barrier barrier_id(%barrier3A)
    %mul3A_23 = arith.constant 10240 : i32
    %mul3A_24 = arith.muli %arg0, %mul3A_23 : i32
    %mul3A_25 = arith.constant 20224 : i32
    %mul3A_26 = arith.muli %arg1, %mul3A_25 : i32
    %add3A_27 = arith.constant 0 : i32
    %add3A_28 = arith.addi %mul3A_26, %add3A_27 : i32
    "tpu.region"() ({
      %run_scoped3A = tpu.sem_alloc : memref<!tpu.dma_semaphore, #tpu.memory_space<semaphore_mem>>
      %dma_start3A_114 = tpu.memref_slice %arg3[%add3A_28] : memref<323584xi32, #tpu.memory_space<hbm>> -> memref<128xi32, #tpu.memory_space<hbm>>
      %dma_start3A_115 = tpu.memref_slice %arg3[%add3A_28] : memref<323584xi32, #tpu.memory_space<hbm>> -> memref<128xi32, #tpu.memory_space<hbm>>
      tpu.enqueue_dma source(%dma_start3A_115 : memref<128xi32, #tpu.memory_space<hbm>>) target(%arg6 : memref<128xi32, #tpu.memory_space<vmem>>) target_semaphore(%run_scoped3A : memref<!tpu.dma_semaphore, #tpu.memory_space<semaphore_mem>>)
      %dma_wait3A = tpu.memref_slice %arg3[%add3A_28] : memref<323584xi32, #tpu.memory_space<hbm>> -> memref<128xi32, #tpu.memory_space<hbm>>
      %dma_wait3A_116 = tpu.memref_slice %arg3[%add3A_28] : memref<323584xi32, #tpu.memory_space<hbm>> -> memref<128xi32, #tpu.memory_space<hbm>>
      tpu.wait_dma2 semaphore(%run_scoped3A : memref<!tpu.dma_semaphore, #tpu.memory_space<semaphore_mem>>) src(%dma_wait3A_116 : memref<128xi32, #tpu.memory_space<hbm>>) dst(%arg6 : memref<128xi32, #tpu.memory_space<vmem>>)
      tpu.yield
    }) : () -> ()
    %add3A_29 = arith.constant 0 : i32
    %add3A_30 = arith.addi %mul3A_26, %add3A_29 : i32
    "tpu.region"() ({
      %run_scoped3A = tpu.sem_alloc : memref<!tpu.dma_semaphore, #tpu.memory_space<semaphore_mem>>
      %dma_start3A_114 = tpu.memref_slice %arg4[%add3A_30] : memref<323584xi32, #tpu.memory_space<hbm>> -> memref<128xi32, #tpu.memory_space<hbm>>
      %dma_start3A_115 = tpu.memref_slice %arg4[%add3A_30] : memref<323584xi32, #tpu.memory_space<hbm>> -> memref<128xi32, #tpu.memory_space<hbm>>
      tpu.enqueue_dma source(%dma_start3A_115 : memref<128xi32, #tpu.memory_space<hbm>>) target(%arg7 : memref<128xi32, #tpu.memory_space<vmem>>) target_semaphore(%run_scoped3A : memref<!tpu.dma_semaphore, #tpu.memory_space<semaphore_mem>>)
      %dma_wait3A = tpu.memref_slice %arg4[%add3A_30] : memref<323584xi32, #tpu.memory_space<hbm>> -> memref<128xi32, #tpu.memory_space<hbm>>
      %dma_wait3A_116 = tpu.memref_slice %arg4[%add3A_30] : memref<323584xi32, #tpu.memory_space<hbm>> -> memref<128xi32, #tpu.memory_space<hbm>>
      tpu.wait_dma2 semaphore(%run_scoped3A : memref<!tpu.dma_semaphore, #tpu.memory_space<semaphore_mem>>) src(%dma_wait3A_116 : memref<128xi32, #tpu.memory_space<hbm>>) dst(%arg7 : memref<128xi32, #tpu.memory_space<vmem>>)
      tpu.yield
    }) : () -> ()
    %get3A = arith.constant 0 : index
    %get3A_31 = tpu.vector_load %arg6[%get3A] {strides = array<i32>} : memref<128xi32, #tpu.memory_space<vmem>>, vector<16xi32>,
    %get3A_32 = vector.shape_cast %get3A_31 : vector<16xi32> to vector<16xi32>
    %add3A_33 = vector.broadcast %mul3A_24 : i32 to vector<16xi32>
    %add3A_34 = arith.addi %get3A_32, %add3A_33 : vector<16xi32>
    %swap3A = arith.constant 0 : index
    %swap3A_35 = tpu.vector_load %arg6[%swap3A] {strides = array<i32>} : memref<128xi32, #tpu.memory_space<vmem>>, vector<16xi32>,
    %swap3A_36 = vector.shape_cast %swap3A_35 : vector<16xi32> to vector<16xi32>
    %swap3A_37 = vector.shape_cast %add3A_34 : vector<16xi32> to vector<16xi32>
    tpu.vector_store %arg6[%swap3A], %swap3A_37 {strides = array<i32>} : memref<128xi32, #tpu.memory_space<vmem>>, vector<16xi32>,
    %get3A_38 = arith.constant 16 : index
    %get3A_39 = tpu.vector_load %arg6[%get3A_38] {strides = array<i32>} : memref<128xi32, #tpu.memory_space<vmem>>, vector<16xi32>,
    %get3A_40 = vector.shape_cast %get3A_39 : vector<16xi32> to vector<16xi32>
    %add3A_41 = vector.broadcast %mul3A_24 : i32 to vector<16xi32>
    %add3A_42 = arith.addi %get3A_40, %add3A_41 : vector<16xi32>
    %swap3A_43 = arith.constant 16 : index
    %swap3A_44 = tpu.vector_load %arg6[%swap3A_43] {strides = array<i32>} : memref<128xi32, #tpu.memory_space<vmem>>, vector<16xi32>,
    %swap3A_45 = vector.shape_cast %swap3A_44 : vector<16xi32> to vector<16xi32>
    %swap3A_46 = vector.shape_cast %add3A_42 : vector<16xi32> to vector<16xi32>
    tpu.vector_store %arg6[%swap3A_43], %swap3A_46 {strides = array<i32>} : memref<128xi32, #tpu.memory_space<vmem>>, vector<16xi32>,
    %get3A_47 = arith.constant 32 : index
    %get3A_48 = tpu.vector_load %arg6[%get3A_47] {strides = array<i32>} : memref<128xi32, #tpu.memory_space<vmem>>, vector<16xi32>,
    %get3A_49 = vector.shape_cast %get3A_48 : vector<16xi32> to vector<16xi32>
    %add3A_50 = vector.broadcast %mul3A_24 : i32 to vector<16xi32>
    %add3A_51 = arith.addi %get3A_49, %add3A_50 : vector<16xi32>
    %swap3A_52 = arith.constant 32 : index
    %swap3A_53 = tpu.vector_load %arg6[%swap3A_52] {strides = array<i32>} : memref<128xi32, #tpu.memory_space<vmem>>, vector<16xi32>,
    %swap3A_54 = vector.shape_cast %swap3A_53 : vector<16xi32> to vector<16xi32>
    %swap3A_55 = vector.shape_cast %add3A_51 : vector<16xi32> to vector<16xi32>
    tpu.vector_store %arg6[%swap3A_52], %swap3A_55 {strides = array<i32>} : memref<128xi32, #tpu.memory_space<vmem>>, vector<16xi32>,
    %get3A_56 = arith.constant 48 : index
    %get3A_57 = tpu.vector_load %arg6[%get3A_56] {strides = array<i32>} : memref<128xi32, #tpu.memory_space<vmem>>, vector<16xi32>,
    %get3A_58 = vector.shape_cast %get3A_57 : vector<16xi32> to vector<16xi32>
    %add3A_59 = vector.broadcast %mul3A_24 : i32 to vector<16xi32>
    %add3A_60 = arith.addi %get3A_58, %add3A_59 : vector<16xi32>
    %swap3A_61 = arith.constant 48 : index
    %swap3A_62 = tpu.vector_load %arg6[%swap3A_61] {strides = array<i32>} : memref<128xi32, #tpu.memory_space<vmem>>, vector<16xi32>,
    %swap3A_63 = vector.shape_cast %swap3A_62 : vector<16xi32> to vector<16xi32>
    %swap3A_64 = vector.shape_cast %add3A_60 : vector<16xi32> to vector<16xi32>
    tpu.vector_store %arg6[%swap3A_61], %swap3A_64 {strides = array<i32>} : memref<128xi32, #tpu.memory_space<vmem>>, vector<16xi32>,
    %get3A_65 = arith.constant 64 : index
    %get3A_66 = tpu.vector_load %arg6[%get3A_65] {strides = array<i32>} : memref<128xi32, #tpu.memory_space<vmem>>, vector<16xi32>,
    %get3A_67 = vector.shape_cast %get3A_66 : vector<16xi32> to vector<16xi32>
    %add3A_68 = vector.broadcast %mul3A_24 : i32 to vector<16xi32>
    %add3A_69 = arith.addi %get3A_67, %add3A_68 : vector<16xi32>
    %swap3A_70 = arith.constant 64 : index
    %swap3A_71 = tpu.vector_load %arg6[%swap3A_70] {strides = array<i32>} : memref<128xi32, #tpu.memory_space<vmem>>, vector<16xi32>,
    %swap3A_72 = vector.shape_cast %swap3A_71 : vector<16xi32> to vector<16xi32>
    %swap3A_73 = vector.shape_cast %add3A_69 : vector<16xi32> to vector<16xi32>
    tpu.vector_store %arg6[%swap3A_70], %swap3A_73 {strides = array<i32>} : memref<128xi32, #tpu.memory_space<vmem>>, vector<16xi32>,
    %get3A_74 = arith.constant 80 : index
    %get3A_75 = tpu.vector_load %arg6[%get3A_74] {strides = array<i32>} : memref<128xi32, #tpu.memory_space<vmem>>, vector<16xi32>,
    %get3A_76 = vector.shape_cast %get3A_75 : vector<16xi32> to vector<16xi32>
    %add3A_77 = vector.broadcast %mul3A_24 : i32 to vector<16xi32>
    %add3A_78 = arith.addi %get3A_76, %add3A_77 : vector<16xi32>
    %swap3A_79 = arith.constant 80 : index
    %swap3A_80 = tpu.vector_load %arg6[%swap3A_79] {strides = array<i32>} : memref<128xi32, #tpu.memory_space<vmem>>, vector<16xi32>,
    %swap3A_81 = vector.shape_cast %swap3A_80 : vector<16xi32> to vector<16xi32>
    %swap3A_82 = vector.shape_cast %add3A_78 : vector<16xi32> to vector<16xi32>
    tpu.vector_store %arg6[%swap3A_79], %swap3A_82 {strides = array<i32>} : memref<128xi32, #tpu.memory_space<vmem>>, vector<16xi32>,
    %get3A_83 = arith.constant 96 : index
    %get3A_84 = tpu.vector_load %arg6[%get3A_83] {strides = array<i32>} : memref<128xi32, #tpu.memory_space<vmem>>, vector<16xi32>,
    %get3A_85 = vector.shape_cast %get3A_84 : vector<16xi32> to vector<16xi32>
    %add3A_86 = vector.broadcast %mul3A_24 : i32 to vector<16xi32>
    %add3A_87 = arith.addi %get3A_85, %add3A_86 : vector<16xi32>
    %swap3A_88 = arith.constant 96 : index
    %swap3A_89 = tpu.vector_load %arg6[%swap3A_88] {strides = array<i32>} : memref<128xi32, #tpu.memory_space<vmem>>, vector<16xi32>,
    %swap3A_90 = vector.shape_cast %swap3A_89 : vector<16xi32> to vector<16xi32>
    %swap3A_91 = vector.shape_cast %add3A_87 : vector<16xi32> to vector<16xi32>
    tpu.vector_store %arg6[%swap3A_88], %swap3A_91 {strides = array<i32>} : memref<128xi32, #tpu.memory_space<vmem>>, vector<16xi32>,
    %get3A_92 = arith.constant 112 : index
    %get3A_93 = tpu.vector_load %arg6[%get3A_92] {strides = array<i32>} : memref<128xi32, #tpu.memory_space<vmem>>, vector<16xi32>,
    %get3A_94 = vector.shape_cast %get3A_93 : vector<16xi32> to vector<16xi32>
    %add3A_95 = vector.broadcast %mul3A_24 : i32 to vector<16xi32>
    %add3A_96 = arith.addi %get3A_94, %add3A_95 : vector<16xi32>
    %swap3A_97 = arith.constant 112 : index
    %swap3A_98 = tpu.vector_load %arg6[%swap3A_97] {strides = array<i32>} : memref<128xi32, #tpu.memory_space<vmem>>, vector<16xi32>,
    %swap3A_99 = vector.shape_cast %swap3A_98 : vector<16xi32> to vector<16xi32>
    %swap3A_100 = vector.shape_cast %add3A_96 : vector<16xi32> to vector<16xi32>
    tpu.vector_store %arg6[%swap3A_97], %swap3A_100 {strides = array<i32>} : memref<128xi32, #tpu.memory_space<vmem>>, vector<16xi32>,
    %dma_start3A = arith.constant 0 : i32
    %dma_start3A_101 = arith.constant 0 : i32
    %dma_start3A_102 = tpu.memref_slice %arg2[%dma_start3A, %dma_start3A_101] : memref<20480x128xf32, #tpu.memory_space<hbm>> -> memref<20480x128xf32, #tpu.memory_space<hbm>>
    tpu.enqueue_indirect_dma source(%dma_start3A_102 : memref<20480x128xf32, #tpu.memory_space<hbm>>) target(%arg10 : memref<128x128xf32, #tpu.memory_space<vmem>>) offsets(%arg6 : memref<128xi32, #tpu.memory_space<vmem>>) semaphore(%arg13 : memref<!tpu.dma_semaphore, #tpu.memory_space<semaphore_mem>>)
    %scan3A_103 = arith.constant 0 : i32
    %scan3A_104 = arith.constant 79 : i32
    %scan3A_105 = arith.addi %scan3A_103, %scan3A_104 : i32
    %scan3A_106 = arith.constant 1 : i32
    scf.for %scan3A_114 = %scan3A_103 to %scan3A_105 step %scan3A_106  : i32 {
      %mul3A_115 = arith.constant 2 : i32
      %mul3A_116 = arith.muli %scan3A_114, %mul3A_115 : i32
      %add3A_117 = arith.constant 0 : i32
      %add3A_118 = arith.addi %add3A_117, %mul3A_116 : i32
      %add3A_119 = arith.constant 1 : i32
      %add3A_120 = arith.addi %add3A_118, %add3A_119 : i32
      %mul3A_121 = arith.constant 128 : i32
      %mul3A_122 = arith.muli %add3A_120, %mul3A_121 : i32
      %add3A_123 = arith.addi %mul3A_26, %mul3A_122 : i32
      "tpu.region"() ({
        %run_scoped3A = tpu.sem_alloc : memref<!tpu.dma_semaphore, #tpu.memory_space<semaphore_mem>>
        %dma_start3A_211 = tpu.memref_slice %arg3[%add3A_123] : memref<323584xi32, #tpu.memory_space<hbm>> -> memref<128xi32, #tpu.memory_space<hbm>>
        %dma_start3A_212 = tpu.memref_slice %arg3[%add3A_123] : memref<323584xi32, #tpu.memory_space<hbm>> -> memref<128xi32, #tpu.memory_space<hbm>>
        tpu.enqueue_dma source(%dma_start3A_212 : memref<128xi32, #tpu.memory_space<hbm>>) target(%arg8 : memref<128xi32, #tpu.memory_space<vmem>>) target_semaphore(%run_scoped3A : memref<!tpu.dma_semaphore, #tpu.memory_space<semaphore_mem>>)
        %dma_wait3A_213 = tpu.memref_slice %arg3[%add3A_123] : memref<323584xi32, #tpu.memory_space<hbm>> -> memref<128xi32, #tpu.memory_space<hbm>>
        %dma_wait3A_214 = tpu.memref_slice %arg3[%add3A_123] : memref<323584xi32, #tpu.memory_space<hbm>> -> memref<128xi32, #tpu.memory_space<hbm>>
        tpu.wait_dma2 semaphore(%run_scoped3A : memref<!tpu.dma_semaphore, #tpu.memory_space<semaphore_mem>>) src(%dma_wait3A_214 : memref<128xi32, #tpu.memory_space<hbm>>) dst(%arg8 : memref<128xi32, #tpu.memory_space<vmem>>)
        tpu.yield
      }) : () -> ()
      %mul3A_124 = arith.constant 128 : i32
      %mul3A_125 = arith.muli %add3A_120, %mul3A_124 : i32
      %add3A_126 = arith.addi %mul3A_26, %mul3A_125 : i32
      "tpu.region"() ({
        %run_scoped3A = tpu.sem_alloc : memref<!tpu.dma_semaphore, #tpu.memory_space<semaphore_mem>>
        %dma_start3A_211 = tpu.memref_slice %arg4[%add3A_126] : memref<323584xi32, #tpu.memory_space<hbm>> -> memref<128xi32, #tpu.memory_space<hbm>>
        %dma_start3A_212 = tpu.memref_slice %arg4[%add3A_126] : memref<323584xi32, #tpu.memory_space<hbm>> -> memref<128xi32, #tpu.memory_space<hbm>>
        tpu.enqueue_dma source(%dma_start3A_212 : memref<128xi32, #tpu.memory_space<hbm>>) target(%arg9 : memref<128xi32, #tpu.memory_space<vmem>>) target_semaphore(%run_scoped3A : memref<!tpu.dma_semaphore, #tpu.memory_space<semaphore_mem>>)
        %dma_wait3A_213 = tpu.memref_slice %arg4[%add3A_126] : memref<323584xi32, #tpu.memory_space<hbm>> -> memref<128xi32, #tpu.memory_space<hbm>>
        %dma_wait3A_214 = tpu.memref_slice %arg4[%add3A_126] : memref<323584xi32, #tpu.memory_space<hbm>> -> memref<128xi32, #tpu.memory_space<hbm>>
        tpu.wait_dma2 semaphore(%run_scoped3A : memref<!tpu.dma_semaphore, #tpu.memory_space<semaphore_mem>>) src(%dma_wait3A_214 : memref<128xi32, #tpu.memory_space<hbm>>) dst(%arg9 : memref<128xi32, #tpu.memory_space<vmem>>)
        tpu.yield
      }) : () -> ()
      %get3A_127 = arith.constant 0 : index
      %get3A_128 = tpu.vector_load %arg8[%get3A_127] {strides = array<i32>} : memref<128xi32, #tpu.memory_space<vmem>>, vector<16xi32>,
      %get3A_129 = vector.shape_cast %get3A_128 : vector<16xi32> to vector<16xi32>
      %add3A_130 = vector.broadcast %mul3A_24 : i32 to vector<16xi32>
      %add3A_131 = arith.addi %get3A_129, %add3A_130 : vector<16xi32>
      %swap3A_132 = arith.constant 0 : index
      %swap3A_133 = tpu.vector_load %arg8[%swap3A_132] {strides = array<i32>} : memref<128xi32, #tpu.memory_space<vmem>>, vector<16xi32>,
      %swap3A_134 = vector.shape_cast %swap3A_133 : vector<16xi32> to vector<16xi32>
      %swap3A_135 = vector.shape_cast %add3A_131 : vector<16xi32> to vector<16xi32>
      tpu.vector_store %arg8[%swap3A_132], %swap3A_135 {strides = array<i32>} : memref<128xi32, #tpu.memory_space<vmem>>, vector<16xi32>,
      %get3A_136 = arith.constant 16 : index
      %get3A_137 = tpu.vector_load %arg8[%get3A_136] {strides = array<i32>} : memref<128xi32, #tpu.memory_space<vmem>>, vector<16xi32>,
      %get3A_138 = vector.shape_cast %get3A_137 : vector<16xi32> to vector<16xi32>
      %add3A_139 = vector.broadcast %mul3A_24 : i32 to vector<16xi32>
      %add3A_140 = arith.addi %get3A_138, %add3A_139 : vector<16xi32>
      %swap3A_141 = arith.constant 16 : index
      %swap3A_142 = tpu.vector_load %arg8[%swap3A_141] {strides = array<i32>} : memref<128xi32, #tpu.memory_space<vmem>>, vector<16xi32>,
      %swap3A_143 = vector.shape_cast %swap3A_142 : vector<16xi32> to vector<16xi32>
      %swap3A_144 = vector.shape_cast %add3A_140 : vector<16xi32> to vector<16xi32>
      tpu.vector_store %arg8[%swap3A_141], %swap3A_144 {strides = array<i32>} : memref<128xi32, #tpu.memory_space<vmem>>, vector<16xi32>,
      %get3A_145 = arith.constant 32 : index
      %get3A_146 = tpu.vector_load %arg8[%get3A_145] {strides = array<i32>} : memref<128xi32, #tpu.memory_space<vmem>>, vector<16xi32>,
      %get3A_147 = vector.shape_cast %get3A_146 : vector<16xi32> to vector<16xi32>
      %add3A_148 = vector.broadcast %mul3A_24 : i32 to vector<16xi32>
      %add3A_149 = arith.addi %get3A_147, %add3A_148 : vector<16xi32>
      %swap3A_150 = arith.constant 32 : index
      %swap3A_151 = tpu.vector_load %arg8[%swap3A_150] {strides = array<i32>} : memref<128xi32, #tpu.memory_space<vmem>>, vector<16xi32>,
      %swap3A_152 = vector.shape_cast %swap3A_151 : vector<16xi32> to vector<16xi32>
      %swap3A_153 = vector.shape_cast %add3A_149 : vector<16xi32> to vector<16xi32>
      tpu.vector_store %arg8[%swap3A_150], %swap3A_153 {strides = array<i32>} : memref<128xi32, #tpu.memory_space<vmem>>, vector<16xi32>,
      %get3A_154 = arith.constant 48 : index
      %get3A_155 = tpu.vector_load %arg8[%get3A_154] {strides = array<i32>} : memref<128xi32, #tpu.memory_space<vmem>>, vector<16xi32>,
      %get3A_156 = vector.shape_cast %get3A_155 : vector<16xi32> to vector<16xi32>
      %add3A_157 = vector.broadcast %mul3A_24 : i32 to vector<16xi32>
      %add3A_158 = arith.addi %get3A_156, %add3A_157 : vector<16xi32>
      %swap3A_159 = arith.constant 48 : index
      %swap3A_160 = tpu.vector_load %arg8[%swap3A_159] {strides = array<i32>} : memref<128xi32, #tpu.memory_space<vmem>>, vector<16xi32>,
      %swap3A_161 = vector.shape_cast %swap3A_160 : vector<16xi32> to vector<16xi32>
      %swap3A_162 = vector.shape_cast %add3A_158 : vector<16xi32> to vector<16xi32>
      tpu.vector_store %arg8[%swap3A_159], %swap3A_162 {strides = array<i32>} : memref<128xi32, #tpu.memory_space<vmem>>, vector<16xi32>,
      %get3A_163 = arith.constant 64 : index
      %get3A_164 = tpu.vector_load %arg8[%get3A_163] {strides = array<i32>} : memref<128xi32, #tpu.memory_space<vmem>>, vector<16xi32>,
      %get3A_165 = vector.shape_cast %get3A_164 : vector<16xi32> to vector<16xi32>
      %add3A_166 = vector.broadcast %mul3A_24 : i32 to vector<16xi32>
      %add3A_167 = arith.addi %get3A_165, %add3A_166 : vector<16xi32>
      %swap3A_168 = arith.constant 64 : index
      %swap3A_169 = tpu.vector_load %arg8[%swap3A_168] {strides = array<i32>} : memref<128xi32, #tpu.memory_space<vmem>>, vector<16xi32>,
      %swap3A_170 = vector.shape_cast %swap3A_169 : vector<16xi32> to vector<16xi32>
      %swap3A_171 = vector.shape_cast %add3A_167 : vector<16xi32> to vector<16xi32>
      tpu.vector_store %arg8[%swap3A_168], %swap3A_171 {strides = array<i32>} : memref<128xi32, #tpu.memory_space<vmem>>, vector<16xi32>,
      %get3A_172 = arith.constant 80 : index
      %get3A_173 = tpu.vector_load %arg8[%get3A_172] {strides = array<i32>} : memref<128xi32, #tpu.memory_space<vmem>>, vector<16xi32>,
      %get3A_174 = vector.shape_cast %get3A_173 : vector<16xi32> to vector<16xi32>
      %add3A_175 = vector.broadcast %mul3A_24 : i32 to vector<16xi32>
      %add3A_176 = arith.addi %get3A_174, %add3A_175 : vector<16xi32>
      %swap3A_177 = arith.constant 80 : index
      %swap3A_178 = tpu.vector_load %arg8[%swap3A_177] {strides = array<i32>} : memref<128xi32, #tpu.memory_space<vmem>>, vector<16xi32>,
      %swap3A_179 = vector.shape_cast %swap3A_178 : vector<16xi32> to vector<16xi32>
      %swap3A_180 = vector.shape_cast %add3A_176 : vector<16xi32> to vector<16xi32>
      tpu.vector_store %arg8[%swap3A_177], %swap3A_180 {strides = array<i32>} : memref<128xi32, #tpu.memory_space<vmem>>, vector<16xi32>,
      %get3A_181 = arith.constant 96 : index
      %get3A_182 = tpu.vector_load %arg8[%get3A_181] {strides = array<i32>} : memref<128xi32, #tpu.memory_space<vmem>>, vector<16xi32>,
      %get3A_183 = vector.shape_cast %get3A_182 : vector<16xi32> to vector<16xi32>
      %add3A_184 = vector.broadcast %mul3A_24 : i32 to vector<16xi32>
      %add3A_185 = arith.addi %get3A_183, %add3A_184 : vector<16xi32>
      %swap3A_186 = arith.constant 96 : index
      %swap3A_187 = tpu.vector_load %arg8[%swap3A_186] {strides = array<i32>} : memref<128xi32, #tpu.memory_space<vmem>>, vector<16xi32>,
      %swap3A_188 = vector.shape_cast %swap3A_187 : vector<16xi32> to vector<16xi32>
      %swap3A_189 = vector.shape_cast %add3A_185 : vector<16xi32> to vector<16xi32>
      tpu.vector_store %arg8[%swap3A_186], %swap3A_189 {strides = array<i32>} : memref<128xi32, #tpu.memory_space<vmem>>, vector<16xi32>,
      %get3A_190 = arith.constant 112 : index
      %get3A_191 = tpu.vector_load %arg8[%get3A_190] {strides = array<i32>} : memref<128xi32, #tpu.memory_space<vmem>>, vector<16xi32>,
      %get3A_192 = vector.shape_cast %get3A_191 : vector<16xi32> to vector<16xi32>
      %add3A_193 = vector.broadcast %mul3A_24 : i32 to vector<16xi32>
      %add3A_194 = arith.addi %get3A_192, %add3A_193 : vector<16xi32>
      %swap3A_195 = arith.constant 112 : index
      %swap3A_196 = tpu.vector_load %arg8[%swap3A_195] {strides = array<i32>} : memref<128xi32, #tpu.memory_space<vmem>>, vector<16xi32>,
      %swap3A_197 = vector.shape_cast %swap3A_196 : vector<16xi32> to vector<16xi32>
      %swap3A_198 = vector.shape_cast %add3A_194 : vector<16xi32> to vector<16xi32>
      tpu.vector_store %arg8[%swap3A_195], %swap3A_198 {strides = array<i32>} : memref<128xi32, #tpu.memory_space<vmem>>, vector<16xi32>,
      %dma_start3A_199 = arith.constant 0 : i32
      %dma_start3A_200 = arith.constant 0 : i32
      %dma_start3A_201 = tpu.memref_slice %arg2[%dma_start3A_199, %dma_start3A_200] : memref<20480x128xf32, #tpu.memory_space<hbm>> -> memref<20480x128xf32, #tpu.memory_space<hbm>>
      tpu.enqueue_indirect_dma source(%dma_start3A_201 : memref<20480x128xf32, #tpu.memory_space<hbm>>) target(%arg11 : memref<128x128xf32, #tpu.memory_space<vmem>>) offsets(%arg8 : memref<128xi32, #tpu.memory_space<vmem>>) semaphore(%arg14 : memref<!tpu.dma_semaphore, #tpu.memory_space<semaphore_mem>>)
      %dma_wait3A = arith.constant 0 : i32
      %dma_wait3A_202 = arith.constant 0 : i32
      %dma_wait3A_203 = tpu.memref_slice %arg2[%dma_wait3A, %dma_wait3A_202] : memref<20480x128xf32, #tpu.memory_space<hbm>> -> memref<20480x128xf32, #tpu.memory_space<hbm>>
      tpu.wait_indirect_dma semaphore(%arg13 : memref<!tpu.dma_semaphore, #tpu.memory_space<semaphore_mem>>) src(%dma_wait3A_203 : memref<20480x128xf32, #tpu.memory_space<hbm>>) dst(%arg10 : memref<128x128xf32, #tpu.memory_space<vmem>>)
      "tpu.region"() ({
        %run_scoped3A = tpu.sem_alloc : memref<!tpu.dma_semaphore, #tpu.memory_space<semaphore_mem>>
        %dma_start3A_211 = arith.constant 0 : i32
        %dma_start3A_212 = arith.constant 0 : i32
        %dma_start3A_213 = tpu.memref_slice %arg12[%dma_start3A_211, %dma_start3A_212] : memref<10240x128xf32, #tpu.memory_space<vmem_shared>> -> memref<10240x128xf32, #tpu.memory_space<vmem_shared>>
        tpu.enqueue_indirect_dma source(%arg10 : memref<128x128xf32, #tpu.memory_space<vmem>>) target(%dma_start3A_213 : memref<10240x128xf32, #tpu.memory_space<vmem_shared>>) offsets(%arg7 : memref<128xi32, #tpu.memory_space<vmem>>) semaphore(%run_scoped3A : memref<!tpu.dma_semaphore, #tpu.memory_space<semaphore_mem>>) {add = true}
        %dma_wait3A_214 = arith.constant 0 : i32
        %dma_wait3A_215 = arith.constant 0 : i32
        %dma_wait3A_216 = tpu.memref_slice %arg12[%dma_wait3A_214, %dma_wait3A_215] : memref<10240x128xf32, #tpu.memory_space<vmem_shared>> -> memref<10240x128xf32, #tpu.memory_space<vmem_shared>>
        tpu.wait_indirect_dma semaphore(%run_scoped3A : memref<!tpu.dma_semaphore, #tpu.memory_space<semaphore_mem>>) src(%arg10 : memref<128x128xf32, #tpu.memory_space<vmem>>) dst(%dma_wait3A_216 : memref<10240x128xf32, #tpu.memory_space<vmem_shared>>)
        tpu.yield
      }) : () -> ()
      %add3A_204 = arith.constant 2 : i32
      %add3A_205 = arith.addi %add3A_118, %add3A_204 : i32
      %lt3A = arith.constant 158 : i32
      %lt3A_206 = arith.cmpi slt, %add3A_205, %lt3A : i32
      %convert_element_type3A = arith.extui %lt3A_206 : i1 to i32
      %cond3A = arith.constant 0 : i32
      %cond3A_207 = arith.cmpi ne, %convert_element_type3A, %cond3A : i32
      scf.if %cond3A_207 {
        %add3A_211 = arith.constant 2 : i32
        %add3A_212 = arith.addi %add3A_118, %add3A_211 : i32
        %mul3A_213 = arith.constant 128 : i32
        %mul3A_214 = arith.muli %add3A_212, %mul3A_213 : i32
        %add3A_215 = arith.addi %mul3A_26, %mul3A_214 : i32
        "tpu.region"() ({
          %run_scoped3A = tpu.sem_alloc : memref<!tpu.dma_semaphore, #tpu.memory_space<semaphore_mem>>
          %dma_start3A_294 = tpu.memref_slice %arg3[%add3A_215] : memref<323584xi32, #tpu.memory_space<hbm>> -> memref<128xi32, #tpu.memory_space<hbm>>
          %dma_start3A_295 = tpu.memref_slice %arg3[%add3A_215] : memref<323584xi32, #tpu.memory_space<hbm>> -> memref<128xi32, #tpu.memory_space<hbm>>
          tpu.enqueue_dma source(%dma_start3A_295 : memref<128xi32, #tpu.memory_space<hbm>>) target(%arg6 : memref<128xi32, #tpu.memory_space<vmem>>) target_semaphore(%run_scoped3A : memref<!tpu.dma_semaphore, #tpu.memory_space<semaphore_mem>>)
          %dma_wait3A_296 = tpu.memref_slice %arg3[%add3A_215] : memref<323584xi32, #tpu.memory_space<hbm>> -> memref<128xi32, #tpu.memory_space<hbm>>
          %dma_wait3A_297 = tpu.memref_slice %arg3[%add3A_215] : memref<323584xi32, #tpu.memory_space<hbm>> -> memref<128xi32, #tpu.memory_space<hbm>>
          tpu.wait_dma2 semaphore(%run_scoped3A : memref<!tpu.dma_semaphore, #tpu.memory_space<semaphore_mem>>) src(%dma_wait3A_297 : memref<128xi32, #tpu.memory_space<hbm>>) dst(%arg6 : memref<128xi32, #tpu.memory_space<vmem>>)
          tpu.yield
        }) : () -> ()
        %mul3A_216 = arith.constant 128 : i32
        %mul3A_217 = arith.muli %add3A_212, %mul3A_216 : i32
        %add3A_218 = arith.addi %mul3A_26, %mul3A_217 : i32
        "tpu.region"() ({
          %run_scoped3A = tpu.sem_alloc : memref<!tpu.dma_semaphore, #tpu.memory_space<semaphore_mem>>
          %dma_start3A_294 = tpu.memref_slice %arg4[%add3A_218] : memref<323584xi32, #tpu.memory_space<hbm>> -> memref<128xi32, #tpu.memory_space<hbm>>
          %dma_start3A_295 = tpu.memref_slice %arg4[%add3A_218] : memref<323584xi32, #tpu.memory_space<hbm>> -> memref<128xi32, #tpu.memory_space<hbm>>
          tpu.enqueue_dma source(%dma_start3A_295 : memref<128xi32, #tpu.memory_space<hbm>>) target(%arg7 : memref<128xi32, #tpu.memory_space<vmem>>) target_semaphore(%run_scoped3A : memref<!tpu.dma_semaphore, #tpu.memory_space<semaphore_mem>>)
          %dma_wait3A_296 = tpu.memref_slice %arg4[%add3A_218] : memref<323584xi32, #tpu.memory_space<hbm>> -> memref<128xi32, #tpu.memory_space<hbm>>
          %dma_wait3A_297 = tpu.memref_slice %arg4[%add3A_218] : memref<323584xi32, #tpu.memory_space<hbm>> -> memref<128xi32, #tpu.memory_space<hbm>>
          tpu.wait_dma2 semaphore(%run_scoped3A : memref<!tpu.dma_semaphore, #tpu.memory_space<semaphore_mem>>) src(%dma_wait3A_297 : memref<128xi32, #tpu.memory_space<hbm>>) dst(%arg7 : memref<128xi32, #tpu.memory_space<vmem>>)
          tpu.yield
        }) : () -> ()
        %get3A_219 = arith.constant 0 : index
        %get3A_220 = tpu.vector_load %arg6[%get3A_219] {strides = array<i32>} : memref<128xi32, #tpu.memory_space<vmem>>, vector<16xi32>,
        %get3A_221 = vector.shape_cast %get3A_220 : vector<16xi32> to vector<16xi32>
        %add3A_222 = vector.broadcast %mul3A_24 : i32 to vector<16xi32>
        %add3A_223 = arith.addi %get3A_221, %add3A_222 : vector<16xi32>
        %swap3A_224 = arith.constant 0 : index
        %swap3A_225 = tpu.vector_load %arg6[%swap3A_224] {strides = array<i32>} : memref<128xi32, #tpu.memory_space<vmem>>, vector<16xi32>,
        %swap3A_226 = vector.shape_cast %swap3A_225 : vector<16xi32> to vector<16xi32>
        %swap3A_227 = vector.shape_cast %add3A_223 : vector<16xi32> to vector<16xi32>
        tpu.vector_store %arg6[%swap3A_224], %swap3A_227 {strides = array<i32>} : memref<128xi32, #tpu.memory_space<vmem>>, vector<16xi32>,
        %get3A_228 = arith.constant 16 : index
        %get3A_229 = tpu.vector_load %arg6[%get3A_228] {strides = array<i32>} : memref<128xi32, #tpu.memory_space<vmem>>, vector<16xi32>,
        %get3A_230 = vector.shape_cast %get3A_229 : vector<16xi32> to vector<16xi32>
        %add3A_231 = vector.broadcast %mul3A_24 : i32 to vector<16xi32>
        %add3A_232 = arith.addi %get3A_230, %add3A_231 : vector<16xi32>
        %swap3A_233 = arith.constant 16 : index
        %swap3A_234 = tpu.vector_load %arg6[%swap3A_233] {strides = array<i32>} : memref<128xi32, #tpu.memory_space<vmem>>, vector<16xi32>,
        %swap3A_235 = vector.shape_cast %swap3A_234 : vector<16xi32> to vector<16xi32>
        %swap3A_236 = vector.shape_cast %add3A_232 : vector<16xi32> to vector<16xi32>
        tpu.vector_store %arg6[%swap3A_233], %swap3A_236 {strides = array<i32>} : memref<128xi32, #tpu.memory_space<vmem>>, vector<16xi32>,
        %get3A_237 = arith.constant 32 : index
        %get3A_238 = tpu.vector_load %arg6[%get3A_237] {strides = array<i32>} : memref<128xi32, #tpu.memory_space<vmem>>, vector<16xi32>,
        %get3A_239 = vector.shape_cast %get3A_238 : vector<16xi32> to vector<16xi32>
        %add3A_240 = vector.broadcast %mul3A_24 : i32 to vector<16xi32>
        %add3A_241 = arith.addi %get3A_239, %add3A_240 : vector<16xi32>
        %swap3A_242 = arith.constant 32 : index
        %swap3A_243 = tpu.vector_load %arg6[%swap3A_242] {strides = array<i32>} : memref<128xi32, #tpu.memory_space<vmem>>, vector<16xi32>,
        %swap3A_244 = vector.shape_cast %swap3A_243 : vector<16xi32> to vector<16xi32>
        %swap3A_245 = vector.shape_cast %add3A_241 : vector<16xi32> to vector<16xi32>
        tpu.vector_store %arg6[%swap3A_242], %swap3A_245 {strides = array<i32>} : memref<128xi32, #tpu.memory_space<vmem>>, vector<16xi32>,
        %get3A_246 = arith.constant 48 : index
        %get3A_247 = tpu.vector_load %arg6[%get3A_246] {strides = array<i32>} : memref<128xi32, #tpu.memory_space<vmem>>, vector<16xi32>,
        %get3A_248 = vector.shape_cast %get3A_247 : vector<16xi32> to vector<16xi32>
        %add3A_249 = vector.broadcast %mul3A_24 : i32 to vector<16xi32>
        %add3A_250 = arith.addi %get3A_248, %add3A_249 : vector<16xi32>
        %swap3A_251 = arith.constant 48 : index
        %swap3A_252 = tpu.vector_load %arg6[%swap3A_251] {strides = array<i32>} : memref<128xi32, #tpu.memory_space<vmem>>, vector<16xi32>,
        %swap3A_253 = vector.shape_cast %swap3A_252 : vector<16xi32> to vector<16xi32>
        %swap3A_254 = vector.shape_cast %add3A_250 : vector<16xi32> to vector<16xi32>
        tpu.vector_store %arg6[%swap3A_251], %swap3A_254 {strides = array<i32>} : memref<128xi32, #tpu.memory_space<vmem>>, vector<16xi32>,
        %get3A_255 = arith.constant 64 : index
        %get3A_256 = tpu.vector_load %arg6[%get3A_255] {strides = array<i32>} : memref<128xi32, #tpu.memory_space<vmem>>, vector<16xi32>,
        %get3A_257 = vector.shape_cast %get3A_256 : vector<16xi32> to vector<16xi32>
        %add3A_258 = vector.broadcast %mul3A_24 : i32 to vector<16xi32>
        %add3A_259 = arith.addi %get3A_257, %add3A_258 : vector<16xi32>
        %swap3A_260 = arith.constant 64 : index
        %swap3A_261 = tpu.vector_load %arg6[%swap3A_260] {strides = array<i32>} : memref<128xi32, #tpu.memory_space<vmem>>, vector<16xi32>,
        %swap3A_262 = vector.shape_cast %swap3A_261 : vector<16xi32> to vector<16xi32>
        %swap3A_263 = vector.shape_cast %add3A_259 : vector<16xi32> to vector<16xi32>
        tpu.vector_store %arg6[%swap3A_260], %swap3A_263 {strides = array<i32>} : memref<128xi32, #tpu.memory_space<vmem>>, vector<16xi32>,
        %get3A_264 = arith.constant 80 : index
        %get3A_265 = tpu.vector_load %arg6[%get3A_264] {strides = array<i32>} : memref<128xi32, #tpu.memory_space<vmem>>, vector<16xi32>,
        %get3A_266 = vector.shape_cast %get3A_265 : vector<16xi32> to vector<16xi32>
        %add3A_267 = vector.broadcast %mul3A_24 : i32 to vector<16xi32>
        %add3A_268 = arith.addi %get3A_266, %add3A_267 : vector<16xi32>
        %swap3A_269 = arith.constant 80 : index
        %swap3A_270 = tpu.vector_load %arg6[%swap3A_269] {strides = array<i32>} : memref<128xi32, #tpu.memory_space<vmem>>, vector<16xi32>,
        %swap3A_271 = vector.shape_cast %swap3A_270 : vector<16xi32> to vector<16xi32>
        %swap3A_272 = vector.shape_cast %add3A_268 : vector<16xi32> to vector<16xi32>
        tpu.vector_store %arg6[%swap3A_269], %swap3A_272 {strides = array<i32>} : memref<128xi32, #tpu.memory_space<vmem>>, vector<16xi32>,
        %get3A_273 = arith.constant 96 : index
        %get3A_274 = tpu.vector_load %arg6[%get3A_273] {strides = array<i32>} : memref<128xi32, #tpu.memory_space<vmem>>, vector<16xi32>,
        %get3A_275 = vector.shape_cast %get3A_274 : vector<16xi32> to vector<16xi32>
        %add3A_276 = vector.broadcast %mul3A_24 : i32 to vector<16xi32>
        %add3A_277 = arith.addi %get3A_275, %add3A_276 : vector<16xi32>
        %swap3A_278 = arith.constant 96 : index
        %swap3A_279 = tpu.vector_load %arg6[%swap3A_278] {strides = array<i32>} : memref<128xi32, #tpu.memory_space<vmem>>, vector<16xi32>,
        %swap3A_280 = vector.shape_cast %swap3A_279 : vector<16xi32> to vector<16xi32>
        %swap3A_281 = vector.shape_cast %add3A_277 : vector<16xi32> to vector<16xi32>
        tpu.vector_store %arg6[%swap3A_278], %swap3A_281 {strides = array<i32>} : memref<128xi32, #tpu.memory_space<vmem>>, vector<16xi32>,
        %get3A_282 = arith.constant 112 : index
        %get3A_283 = tpu.vector_load %arg6[%get3A_282] {strides = array<i32>} : memref<128xi32, #tpu.memory_space<vmem>>, vector<16xi32>,
        %get3A_284 = vector.shape_cast %get3A_283 : vector<16xi32> to vector<16xi32>
        %add3A_285 = vector.broadcast %mul3A_24 : i32 to vector<16xi32>
        %add3A_286 = arith.addi %get3A_284, %add3A_285 : vector<16xi32>
        %swap3A_287 = arith.constant 112 : index
        %swap3A_288 = tpu.vector_load %arg6[%swap3A_287] {strides = array<i32>} : memref<128xi32, #tpu.memory_space<vmem>>, vector<16xi32>,
        %swap3A_289 = vector.shape_cast %swap3A_288 : vector<16xi32> to vector<16xi32>
        %swap3A_290 = vector.shape_cast %add3A_286 : vector<16xi32> to vector<16xi32>
        tpu.vector_store %arg6[%swap3A_287], %swap3A_290 {strides = array<i32>} : memref<128xi32, #tpu.memory_space<vmem>>, vector<16xi32>,
        %dma_start3A_291 = arith.constant 0 : i32
        %dma_start3A_292 = arith.constant 0 : i32
        %dma_start3A_293 = tpu.memref_slice %arg2[%dma_start3A_291, %dma_start3A_292] : memref<20480x128xf32, #tpu.memory_space<hbm>> -> memref<20480x128xf32, #tpu.memory_space<hbm>>
        tpu.enqueue_indirect_dma source(%dma_start3A_293 : memref<20480x128xf32, #tpu.memory_space<hbm>>) target(%arg10 : memref<128x128xf32, #tpu.memory_space<vmem>>) offsets(%arg6 : memref<128xi32, #tpu.memory_space<vmem>>) semaphore(%arg13 : memref<!tpu.dma_semaphore, #tpu.memory_space<semaphore_mem>>)
      } else {
      }
      %dma_wait3A_208 = arith.constant 0 : i32
      %dma_wait3A_209 = arith.constant 0 : i32
      %dma_wait3A_210 = tpu.memref_slice %arg2[%dma_wait3A_208, %dma_wait3A_209] : memref<20480x128xf32, #tpu.memory_space<hbm>> -> memref<20480x128xf32, #tpu.memory_space<hbm>>
      tpu.wait_indirect_dma semaphore(%arg14 : memref<!tpu.dma_semaphore, #tpu.memory_space<semaphore_mem>>) src(%dma_wait3A_210 : memref<20480x128xf32, #tpu.memory_space<hbm>>) dst(%arg11 : memref<128x128xf32, #tpu.memory_space<vmem>>)
      "tpu.region"() ({
        %run_scoped3A = tpu.sem_alloc : memref<!tpu.dma_semaphore, #tpu.memory_space<semaphore_mem>>
        %dma_start3A_211 = arith.constant 0 : i32
        %dma_start3A_212 = arith.constant 0 : i32
        %dma_start3A_213 = tpu.memref_slice %arg12[%dma_start3A_211, %dma_start3A_212] : memref<10240x128xf32, #tpu.memory_space<vmem_shared>> -> memref<10240x128xf32, #tpu.memory_space<vmem_shared>>
        tpu.enqueue_indirect_dma source(%arg11 : memref<128x128xf32, #tpu.memory_space<vmem>>) target(%dma_start3A_213 : memref<10240x128xf32, #tpu.memory_space<vmem_shared>>) offsets(%arg9 : memref<128xi32, #tpu.memory_space<vmem>>) semaphore(%run_scoped3A : memref<!tpu.dma_semaphore, #tpu.memory_space<semaphore_mem>>) {add = true}
        %dma_wait3A_214 = arith.constant 0 : i32
        %dma_wait3A_215 = arith.constant 0 : i32
        %dma_wait3A_216 = tpu.memref_slice %arg12[%dma_wait3A_214, %dma_wait3A_215] : memref<10240x128xf32, #tpu.memory_space<vmem_shared>> -> memref<10240x128xf32, #tpu.memory_space<vmem_shared>>
        tpu.wait_indirect_dma semaphore(%run_scoped3A : memref<!tpu.dma_semaphore, #tpu.memory_space<semaphore_mem>>) src(%arg11 : memref<128x128xf32, #tpu.memory_space<vmem>>) dst(%dma_wait3A_216 : memref<10240x128xf32, #tpu.memory_space<vmem_shared>>)
        tpu.yield
      }) : () -> ()
    }
    %scan3A_107 = arith.constant 79 : i32
    %barrier3A_108 = arith.constant 0 : index
    tpu.barrier barrier_id(%barrier3A_108)
    %mul3A_109 = arith.constant 640 : i32
    %mul3A_110 = arith.muli %arg1, %mul3A_109 : i32
    %mul3A_111 = arith.constant 640 : i32
    %mul3A_112 = arith.muli %arg1, %mul3A_111 : i32
    %add3A_113 = arith.addi %mul3A_24, %mul3A_112 : i32
    "tpu.region"() ({
      %run_scoped3A = tpu.sem_alloc : memref<!tpu.dma_semaphore, #tpu.memory_space<semaphore_mem>>
      %dma_start3A_114 = arith.constant 0 : i32
      %dma_start3A_115 = tpu.memref_slice %arg5[%add3A_113, %dma_start3A_114] : memref<20480x128xf32, #tpu.memory_space<hbm>> -> memref<640x128xf32, #tpu.memory_space<hbm>>
      %dma_start3A_116 = arith.constant 0 : i32
      %dma_start3A_117 = tpu.memref_slice %arg12[%mul3A_110, %dma_start3A_116] : memref<10240x128xf32, #tpu.memory_space<vmem_shared>> -> memref<640x128xf32, #tpu.memory_space<vmem_shared>>
      tpu.enqueue_dma source(%dma_start3A_117 : memref<640x128xf32, #tpu.memory_space<vmem_shared>>) target(%dma_start3A_115 : memref<640x128xf32, #tpu.memory_space<hbm>>) target_semaphore(%run_scoped3A : memref<!tpu.dma_semaphore, #tpu.memory_space<semaphore_mem>>)
      %dma_wait3A = arith.constant 0 : i32
      %dma_wait3A_118 = tpu.memref_slice %arg5[%add3A_113, %dma_wait3A] : memref<20480x128xf32, #tpu.memory_space<hbm>> -> memref<640x128xf32, #tpu.memory_space<hbm>>
      %dma_wait3A_119 = arith.constant 0 : i32
      %dma_wait3A_120 = tpu.memref_slice %arg12[%mul3A_110, %dma_wait3A_119] : memref<10240x128xf32, #tpu.memory_space<vmem_shared>> -> memref<640x128xf32, #tpu.memory_space<vmem_shared>>
      tpu.wait_dma2 semaphore(%run_scoped3A : memref<!tpu.dma_semaphore, #tpu.memory_space<semaphore_mem>>) src(%dma_wait3A_120 : memref<640x128xf32, #tpu.memory_space<vmem_shared>>) dst(%dma_wait3A_118 : memref<640x128xf32, #tpu.memory_space<hbm>>)
      tpu.yield
    }) : () -> ()
    return
  }
}

module attributes {stable_mosaic.version = 14 : i64} {
  func.func @_encoder_body(%arg0: i32, %arg1: memref<1280x128xf32, #tpu.memory_space<vmem>>, %arg2: memref<256x128xf32, #tpu.memory_space<vmem>>, %arg3: memref<1x256xf32, #tpu.memory_space<vmem>>, %arg4: memref<2x1280x128xf32, #tpu.memory_space<vmem>>) attributes {dimension_semantics = [#tpu.dimension_semantics<arbitrary>], iteration_bounds = array<i64: 8>, scalar_prefetch = 0 : i64, scratch_operands = 0 : i64, tpu.core_type = #tpu.core_type<tc>, window_params = [{transform_indices = @transform_0, window_bounds = array<i64: 1280, 128>}, {pipeline_mode = #tpu.pipeline_mode<synchronous>, transform_indices = @transform_1, window_bounds = array<i64: 256, 128>}, {pipeline_mode = #tpu.pipeline_mode<synchronous>, transform_indices = @transform_2, window_bounds = array<i64: 1, 256>}, {transform_indices = @transform_3, window_bounds = array<i64: 2, 1280, 128>}]} {
    %get3A = arith.constant 0 : index
    %get3A_0 = arith.constant 0 : index
    %get3A_1 = vector.load %arg1[%get3A, %get3A_0] : memref<1280x128xf32, #tpu.memory_space<vmem>>, vector<1280x128xf32>
    %mul3A = arith.mulf %get3A_1, %get3A_1 : vector<1280x128xf32>
    %reduce_sum3A = arith.constant dense<0.000000e+00> : vector<1280xf32>
    %reduce_sum3A_2 = vector.multi_reduction <add>, %mul3A, %reduce_sum3A [1] : vector<1280x128xf32> to vector<1280xf32>
    %broadcast_in_dim3A = vector.shape_cast %reduce_sum3A_2 : vector<1280xf32> to vector<1280x1xf32>
    %jit3A = arith.constant 1.000000e-15 : f32
    %max3A = vector.broadcast %jit3A : f32 to vector<1280x1xf32>
    %max3A_3 = arith.maximumf %max3A, %broadcast_in_dim3A : vector<1280x1xf32>
    %sqrt3A = math.sqrt %max3A_3 : vector<1280x1xf32>
    %exp3A = math.exp %sqrt3A : vector<1280x1xf32>
    %neg3A = arith.constant 0.000000e+00 : f32
    %neg3A_4 = vector.broadcast %neg3A : f32 to vector<1280x1xf32>
    %neg3A_5 = arith.subf %neg3A_4, %sqrt3A : vector<1280x1xf32>
    %exp3A_6 = math.exp %neg3A_5 : vector<1280x1xf32>
    %sub3A = arith.subf %exp3A, %exp3A_6 : vector<1280x1xf32>
    %mul3A_7 = arith.constant 5.000000e-01 : f32
    %mul3A_8 = vector.broadcast %mul3A_7 : f32 to vector<1280x1xf32>
    %mul3A_9 = arith.mulf %mul3A_8, %sub3A : vector<1280x1xf32>
    %div3A = arith.divf %mul3A_9, %sqrt3A : vector<1280x1xf32>
    %mul3A_10 = vector.broadcast %div3A : vector<1280x1xf32> to vector<1280x128xf32>
    %mul3A_11 = arith.mulf %mul3A_10, %get3A_1 : vector<1280x128xf32>
    %mul3A_12 = arith.mulf %mul3A_11, %mul3A_11 : vector<1280x128xf32>
    %reduce_sum3A_13 = arith.constant dense<0.000000e+00> : vector<1280xf32>
    %reduce_sum3A_14 = vector.multi_reduction <add>, %mul3A_12, %reduce_sum3A_13 [1] : vector<1280x128xf32> to vector<1280xf32>
    %broadcast_in_dim3A_15 = vector.shape_cast %reduce_sum3A_14 : vector<1280xf32> to vector<1280x1xf32>
    %add3A = arith.constant 1.000000e+00 : f32
    %add3A_16 = vector.broadcast %add3A : f32 to vector<1280x1xf32>
    %add3A_17 = arith.addf %add3A_16, %broadcast_in_dim3A_15 : vector<1280x1xf32>
    %jit3A_18 = arith.constant 4.000000e-03 : f32
    %max3A_19 = vector.broadcast %jit3A_18 : f32 to vector<1280x1xf32>
    %max3A_20 = arith.maximumf %max3A_19, %add3A_17 : vector<1280x1xf32>
    %sqrt3A_21 = math.sqrt %max3A_20 : vector<1280x1xf32>
    %jit3A_22 = arith.constant 1.000000e-15 : f32
    %max3A_23 = vector.broadcast %jit3A_22 : f32 to vector<1280x1xf32>
    %max3A_24 = arith.maximumf %max3A_23, %broadcast_in_dim3A_15 : vector<1280x1xf32>
    %sqrt3A_25 = math.sqrt %max3A_24 : vector<1280x1xf32>
    %jit3A_26 = arith.constant 1.004000e+00 : f32
    %max3A_27 = vector.broadcast %jit3A_26 : f32 to vector<1280x1xf32>
    %max3A_28 = arith.maximumf %max3A_27, %sqrt3A_21 : vector<1280x1xf32>
    %mul3A_29 = arith.mulf %max3A_28, %max3A_28 : vector<1280x1xf32>
    %sub3A_30 = arith.constant 1.000000e+00 : f32
    %sub3A_31 = vector.broadcast %sub3A_30 : f32 to vector<1280x1xf32>
    %sub3A_32 = arith.subf %mul3A_29, %sub3A_31 : vector<1280x1xf32>
    %sqrt3A_33 = math.sqrt %sub3A_32 : vector<1280x1xf32>
    %add3A_34 = arith.addf %max3A_28, %sqrt3A_33 : vector<1280x1xf32>
    %log3A = math.log %add3A_34 : vector<1280x1xf32>
    %div3A_35 = arith.divf %log3A, %sqrt3A_25 : vector<1280x1xf32>
    %mul3A_36 = vector.broadcast %div3A_35 : vector<1280x1xf32> to vector<1280x128xf32>
    %mul3A_37 = arith.mulf %mul3A_36, %mul3A_11 : vector<1280x128xf32>
    %get3A_38 = arith.constant 0 : index
    %get3A_39 = arith.constant 0 : index
    %get3A_40 = vector.load %arg2[%get3A_38, %get3A_39] : memref<256x128xf32, #tpu.memory_space<vmem>>, vector<256x128xf32>
    %dot_general3A = arith.constant dense<0.000000e+00> : vector<1280x256xf32>
    %dot_general3A_41 = tpu.matmul %mul3A_37, %get3A_40, %dot_general3A {dimension_numbers = #tpu.dot_dimension_numbers<[1], [1], [0], [0], [0, 0, 1, 0], [], []>, transpose_lhs_hint = false} : vector<1280x128xf32>, vector<256x128xf32>, vector<1280x256xf32> -> vector<1280x256xf32>
    %iota3A = tpu.iota {dimensions = array<i32: 1>} : vector<1280x256xi32>
    %eq3A = arith.constant 0 : i32
    %eq3A_42 = vector.broadcast %eq3A : i32 to vector<1280x256xi32>
    %eq3A_43 = arith.cmpi eq, %iota3A, %eq3A_42 : vector<1280x256xi32>
    %mul3A_44 = arith.mulf %dot_general3A_41, %dot_general3A_41 : vector<1280x256xf32>
    %reduce_sum3A_45 = arith.constant dense<0.000000e+00> : vector<1280xf32>
    %reduce_sum3A_46 = vector.multi_reduction <add>, %mul3A_44, %reduce_sum3A_45 [1] : vector<1280x256xf32> to vector<1280xf32>
    %broadcast_in_dim3A_47 = vector.shape_cast %reduce_sum3A_46 : vector<1280xf32> to vector<1280x1xf32>
    %slice3A = vector.extract_strided_slice %dot_general3A_41 {offsets = [0, 0], sizes = [1280, 1], strides = [1, 1]} : vector<1280x256xf32> to vector<1280x1xf32>
    %slice3A_48 = vector.extract_strided_slice %dot_general3A_41 {offsets = [0, 0], sizes = [1280, 1], strides = [1, 1]} : vector<1280x256xf32> to vector<1280x1xf32>
    %mul3A_49 = arith.mulf %slice3A, %slice3A_48 : vector<1280x1xf32>
    %sub3A_50 = arith.subf %broadcast_in_dim3A_47, %mul3A_49 : vector<1280x1xf32>
    %jit3A_51 = arith.constant 1.000000e-15 : f32
    %max3A_52 = vector.broadcast %jit3A_51 : f32 to vector<1280x1xf32>
    %max3A_53 = arith.maximumf %max3A_52, %sub3A_50 : vector<1280x1xf32>
    %sqrt3A_54 = math.sqrt %max3A_53 : vector<1280x1xf32>
    %exp3A_55 = math.exp %sqrt3A_54 : vector<1280x1xf32>
    %neg3A_56 = arith.constant 0.000000e+00 : f32
    %neg3A_57 = vector.broadcast %neg3A_56 : f32 to vector<1280x1xf32>
    %neg3A_58 = arith.subf %neg3A_57, %sqrt3A_54 : vector<1280x1xf32>
    %exp3A_59 = math.exp %neg3A_58 : vector<1280x1xf32>
    %sub3A_60 = arith.subf %exp3A_55, %exp3A_59 : vector<1280x1xf32>
    %mul3A_61 = arith.constant 5.000000e-01 : f32
    %mul3A_62 = vector.broadcast %mul3A_61 : f32 to vector<1280x1xf32>
    %mul3A_63 = arith.mulf %mul3A_62, %sub3A_60 : vector<1280x1xf32>
    %div3A_64 = arith.divf %mul3A_63, %sqrt3A_54 : vector<1280x1xf32>
    %mul3A_65 = vector.broadcast %div3A_64 : vector<1280x1xf32> to vector<1280x256xf32>
    %mul3A_66 = arith.mulf %mul3A_65, %dot_general3A_41 : vector<1280x256xf32>
    %exp3A_67 = math.exp %sqrt3A_54 : vector<1280x1xf32>
    %neg3A_68 = arith.constant 0.000000e+00 : f32
    %neg3A_69 = vector.broadcast %neg3A_68 : f32 to vector<1280x1xf32>
    %neg3A_70 = arith.subf %neg3A_69, %sqrt3A_54 : vector<1280x1xf32>
    %exp3A_71 = math.exp %neg3A_70 : vector<1280x1xf32>
    %add3A_72 = arith.addf %exp3A_67, %exp3A_71 : vector<1280x1xf32>
    %mul3A_73 = arith.constant 5.000000e-01 : f32
    %mul3A_74 = vector.broadcast %mul3A_73 : f32 to vector<1280x1xf32>
    %mul3A_75 = arith.mulf %mul3A_74, %add3A_72 : vector<1280x1xf32>
    %broadcast_in_dim3A_76 = vector.shape_cast %mul3A_75 : vector<1280x1xf32> to vector<1280x1xf32>
    %broadcast_in_dim3A_77 = vector.broadcast %broadcast_in_dim3A_76 : vector<1280x1xf32> to vector<1280x256xf32>
    %select_n3A = arith.select %eq3A_43, %broadcast_in_dim3A_77, %mul3A_66 : vector<1280x256xi1>, vector<1280x256xf32>
    %mul3A_78 = arith.mulf %select_n3A, %select_n3A : vector<1280x256xf32>
    %reduce_sum3A_79 = arith.constant dense<0.000000e+00> : vector<1280xf32>
    %reduce_sum3A_80 = vector.multi_reduction <add>, %mul3A_78, %reduce_sum3A_79 [1] : vector<1280x256xf32> to vector<1280xf32>
    %broadcast_in_dim3A_81 = vector.shape_cast %reduce_sum3A_80 : vector<1280xf32> to vector<1280x1xf32>
    %slice3A_82 = vector.extract_strided_slice %select_n3A {offsets = [0, 0], sizes = [1280, 1], strides = [1, 1]} : vector<1280x256xf32> to vector<1280x1xf32>
    %slice3A_83 = vector.extract_strided_slice %select_n3A {offsets = [0, 0], sizes = [1280, 1], strides = [1, 1]} : vector<1280x256xf32> to vector<1280x1xf32>
    %mul3A_84 = arith.mulf %slice3A_82, %slice3A_83 : vector<1280x1xf32>
    %sub3A_85 = arith.subf %broadcast_in_dim3A_81, %mul3A_84 : vector<1280x1xf32>
    %add3A_86 = arith.constant 1.000000e+00 : f32
    %add3A_87 = vector.broadcast %add3A_86 : f32 to vector<1280x1xf32>
    %add3A_88 = arith.addf %add3A_87, %sub3A_85 : vector<1280x1xf32>
    %jit3A_89 = arith.constant 4.000000e-03 : f32
    %max3A_90 = vector.broadcast %jit3A_89 : f32 to vector<1280x1xf32>
    %max3A_91 = arith.maximumf %max3A_90, %add3A_88 : vector<1280x1xf32>
    %sqrt3A_92 = math.sqrt %max3A_91 : vector<1280x1xf32>
    %broadcast_in_dim3A_93 = vector.shape_cast %sqrt3A_92 : vector<1280x1xf32> to vector<1280x1xf32>
    %broadcast_in_dim3A_94 = vector.broadcast %broadcast_in_dim3A_93 : vector<1280x1xf32> to vector<1280x256xf32>
    %select_n3A_95 = arith.select %eq3A_43, %broadcast_in_dim3A_94, %select_n3A : vector<1280x256xi1>, vector<1280x256xf32>
    %get3A_96 = arith.constant 0 : index
    %get3A_97 = arith.constant 0 : index
    %get3A_98 = vector.load %arg3[%get3A_96, %get3A_97] : memref<1x256xf32, #tpu.memory_space<vmem>>, vector<1x256xf32>
    %iota3A_99 = tpu.iota {dimensions = array<i32: 1>} : vector<1x256xi32>
    %eq3A_100 = arith.constant 0 : i32
    %eq3A_101 = vector.broadcast %eq3A_100 : i32 to vector<1x256xi32>
    %eq3A_102 = arith.cmpi eq, %iota3A_99, %eq3A_101 : vector<1x256xi32>
    %jit3A_103 = arith.constant 0.000000e+00 : f32
    %broadcast_in_dim3A_104 = vector.broadcast %jit3A_103 : f32 to vector<1x256xf32>
    %select_n3A_105 = arith.select %eq3A_102, %broadcast_in_dim3A_104, %get3A_98 : vector<1x256xi1>, vector<1x256xf32>
    %mul3A_106 = arith.mulf %select_n3A_105, %select_n3A_105 : vector<1x256xf32>
    %reduce_sum3A_107 = arith.constant dense<0.000000e+00> : vector<1xf32>
    %reduce_sum3A_108 = vector.multi_reduction <add>, %mul3A_106, %reduce_sum3A_107 [1] : vector<1x256xf32> to vector<1xf32>
    %broadcast_in_dim3A_109 = vector.shape_cast %reduce_sum3A_108 : vector<1xf32> to vector<1x1xf32>
    %slice3A_110 = vector.extract_strided_slice %select_n3A_105 {offsets = [0, 0], sizes = [1, 1], strides = [1, 1]} : vector<1x256xf32> to vector<1x1xf32>
    %slice3A_111 = vector.extract_strided_slice %select_n3A_105 {offsets = [0, 0], sizes = [1, 1], strides = [1, 1]} : vector<1x256xf32> to vector<1x1xf32>
    %mul3A_112 = arith.mulf %slice3A_110, %slice3A_111 : vector<1x1xf32>
    %sub3A_113 = arith.subf %broadcast_in_dim3A_109, %mul3A_112 : vector<1x1xf32>
    %jit3A_114 = arith.constant 1.000000e-15 : f32
    %max3A_115 = vector.broadcast %jit3A_114 : f32 to vector<1x1xf32>
    %max3A_116 = arith.maximumf %max3A_115, %sub3A_113 : vector<1x1xf32>
    %sqrt3A_117 = math.sqrt %max3A_116 : vector<1x1xf32>
    %exp3A_118 = math.exp %sqrt3A_117 : vector<1x1xf32>
    %neg3A_119 = arith.constant 0.000000e+00 : f32
    %neg3A_120 = vector.broadcast %neg3A_119 : f32 to vector<1x1xf32>
    %neg3A_121 = arith.subf %neg3A_120, %sqrt3A_117 : vector<1x1xf32>
    %exp3A_122 = math.exp %neg3A_121 : vector<1x1xf32>
    %sub3A_123 = arith.subf %exp3A_118, %exp3A_122 : vector<1x1xf32>
    %mul3A_124 = arith.constant 5.000000e-01 : f32
    %mul3A_125 = vector.broadcast %mul3A_124 : f32 to vector<1x1xf32>
    %mul3A_126 = arith.mulf %mul3A_125, %sub3A_123 : vector<1x1xf32>
    %div3A_127 = arith.divf %mul3A_126, %sqrt3A_117 : vector<1x1xf32>
    %mul3A_128 = vector.broadcast %div3A_127 : vector<1x1xf32> to vector<1x256xf32>
    %mul3A_129 = arith.mulf %mul3A_128, %select_n3A_105 : vector<1x256xf32>
    %exp3A_130 = math.exp %sqrt3A_117 : vector<1x1xf32>
    %neg3A_131 = arith.constant 0.000000e+00 : f32
    %neg3A_132 = vector.broadcast %neg3A_131 : f32 to vector<1x1xf32>
    %neg3A_133 = arith.subf %neg3A_132, %sqrt3A_117 : vector<1x1xf32>
    %exp3A_134 = math.exp %neg3A_133 : vector<1x1xf32>
    %add3A_135 = arith.addf %exp3A_130, %exp3A_134 : vector<1x1xf32>
    %mul3A_136 = arith.constant 5.000000e-01 : f32
    %mul3A_137 = vector.broadcast %mul3A_136 : f32 to vector<1x1xf32>
    %mul3A_138 = arith.mulf %mul3A_137, %add3A_135 : vector<1x1xf32>
    %broadcast_in_dim3A_139 = vector.shape_cast %mul3A_138 : vector<1x1xf32> to vector<1x1xf32>
    %broadcast_in_dim3A_140 = vector.broadcast %broadcast_in_dim3A_139 : vector<1x1xf32> to vector<1x256xf32>
    %select_n3A_141 = arith.select %eq3A_102, %broadcast_in_dim3A_140, %mul3A_129 : vector<1x256xi1>, vector<1x256xf32>
    %mul3A_142 = arith.mulf %select_n3A_141, %select_n3A_141 : vector<1x256xf32>
    %reduce_sum3A_143 = arith.constant dense<0.000000e+00> : vector<1xf32>
    %reduce_sum3A_144 = vector.multi_reduction <add>, %mul3A_142, %reduce_sum3A_143 [1] : vector<1x256xf32> to vector<1xf32>
    %broadcast_in_dim3A_145 = vector.shape_cast %reduce_sum3A_144 : vector<1xf32> to vector<1x1xf32>
    %slice3A_146 = vector.extract_strided_slice %select_n3A_141 {offsets = [0, 0], sizes = [1, 1], strides = [1, 1]} : vector<1x256xf32> to vector<1x1xf32>
    %slice3A_147 = vector.extract_strided_slice %select_n3A_141 {offsets = [0, 0], sizes = [1, 1], strides = [1, 1]} : vector<1x256xf32> to vector<1x1xf32>
    %mul3A_148 = arith.mulf %slice3A_146, %slice3A_147 : vector<1x1xf32>
    %sub3A_149 = arith.subf %broadcast_in_dim3A_145, %mul3A_148 : vector<1x1xf32>
    %add3A_150 = arith.constant 1.000000e+00 : f32
    %add3A_151 = vector.broadcast %add3A_150 : f32 to vector<1x1xf32>
    %add3A_152 = arith.addf %add3A_151, %sub3A_149 : vector<1x1xf32>
    %jit3A_153 = arith.constant 4.000000e-03 : f32
    %max3A_154 = vector.broadcast %jit3A_153 : f32 to vector<1x1xf32>
    %max3A_155 = arith.maximumf %max3A_154, %add3A_152 : vector<1x1xf32>
    %sqrt3A_156 = math.sqrt %max3A_155 : vector<1x1xf32>
    %broadcast_in_dim3A_157 = vector.shape_cast %sqrt3A_156 : vector<1x1xf32> to vector<1x1xf32>
    %broadcast_in_dim3A_158 = vector.broadcast %broadcast_in_dim3A_157 : vector<1x1xf32> to vector<1x256xf32>
    %select_n3A_159 = arith.select %eq3A_102, %broadcast_in_dim3A_158, %select_n3A_141 : vector<1x256xi1>, vector<1x256xf32>
    %mul3A_160 = arith.mulf %select_n3A_159, %select_n3A_159 : vector<1x256xf32>
    %reduce_sum3A_161 = arith.constant dense<0.000000e+00> : vector<1xf32>
    %reduce_sum3A_162 = vector.multi_reduction <add>, %mul3A_160, %reduce_sum3A_161 [1] : vector<1x256xf32> to vector<1xf32>
    %broadcast_in_dim3A_163 = vector.shape_cast %reduce_sum3A_162 : vector<1xf32> to vector<1x1xf32>
    %slice3A_164 = vector.extract_strided_slice %select_n3A_159 {offsets = [0, 0], sizes = [1, 1], strides = [1, 1]} : vector<1x256xf32> to vector<1x1xf32>
    %slice3A_165 = vector.extract_strided_slice %select_n3A_159 {offsets = [0, 0], sizes = [1, 1], strides = [1, 1]} : vector<1x256xf32> to vector<1x1xf32>
    %mul3A_166 = arith.mulf %slice3A_164, %slice3A_165 : vector<1x1xf32>
    %sub3A_167 = arith.subf %broadcast_in_dim3A_163, %mul3A_166 : vector<1x1xf32>
    %jit3A_168 = arith.constant 1.000000e-15 : f32
    %max3A_169 = vector.broadcast %jit3A_168 : f32 to vector<1x1xf32>
    %max3A_170 = arith.maximumf %max3A_169, %sub3A_167 : vector<1x1xf32>
    %sqrt3A_171 = math.sqrt %max3A_170 : vector<1x1xf32>
    %slice3A_172 = vector.extract_strided_slice %select_n3A_159 {offsets = [0, 0], sizes = [1, 1], strides = [1, 1]} : vector<1x256xf32> to vector<1x1xf32>
    %jit3A_173 = arith.constant 1.004000e+00 : f32
    %max3A_174 = vector.broadcast %jit3A_173 : f32 to vector<1x1xf32>
    %max3A_175 = arith.maximumf %max3A_174, %slice3A_172 : vector<1x1xf32>
    %mul3A_176 = arith.mulf %max3A_175, %max3A_175 : vector<1x1xf32>
    %sub3A_177 = arith.constant 1.000000e+00 : f32
    %sub3A_178 = vector.broadcast %sub3A_177 : f32 to vector<1x1xf32>
    %sub3A_179 = arith.subf %mul3A_176, %sub3A_178 : vector<1x1xf32>
    %sqrt3A_180 = math.sqrt %sub3A_179 : vector<1x1xf32>
    %add3A_181 = arith.addf %max3A_175, %sqrt3A_180 : vector<1x1xf32>
    %log3A_182 = math.log %add3A_181 : vector<1x1xf32>
    %div3A_183 = arith.divf %log3A_182, %sqrt3A_171 : vector<1x1xf32>
    %mul3A_184 = vector.broadcast %div3A_183 : vector<1x1xf32> to vector<1x256xf32>
    %mul3A_185 = arith.mulf %mul3A_184, %select_n3A_159 : vector<1x256xf32>
    %jit3A_186 = arith.constant 0.000000e+00 : f32
    %broadcast_in_dim3A_187 = vector.broadcast %jit3A_186 : f32 to vector<1x256xf32>
    %select_n3A_188 = arith.select %eq3A_102, %broadcast_in_dim3A_187, %mul3A_185 : vector<1x256xi1>, vector<1x256xf32>
    %slice3A_189 = vector.extract_strided_slice %select_n3A_95 {offsets = [0, 0], sizes = [1280, 1], strides = [1, 1]} : vector<1280x256xf32> to vector<1280x1xf32>
    %mul3A_190 = arith.mulf %select_n3A_95, %select_n3A_95 : vector<1280x256xf32>
    %reduce_sum3A_191 = arith.constant dense<0.000000e+00> : vector<1280xf32>
    %reduce_sum3A_192 = vector.multi_reduction <add>, %mul3A_190, %reduce_sum3A_191 [1] : vector<1280x256xf32> to vector<1280xf32>
    %broadcast_in_dim3A_193 = vector.shape_cast %reduce_sum3A_192 : vector<1280xf32> to vector<1280x1xf32>
    %slice3A_194 = vector.extract_strided_slice %select_n3A_95 {offsets = [0, 0], sizes = [1280, 1], strides = [1, 1]} : vector<1280x256xf32> to vector<1280x1xf32>
    %slice3A_195 = vector.extract_strided_slice %select_n3A_95 {offsets = [0, 0], sizes = [1280, 1], strides = [1, 1]} : vector<1280x256xf32> to vector<1280x1xf32>
    %mul3A_196 = arith.mulf %slice3A_194, %slice3A_195 : vector<1280x1xf32>
    %sub3A_197 = arith.subf %broadcast_in_dim3A_193, %mul3A_196 : vector<1280x1xf32>
    %jit3A_198 = arith.constant 1.000000e-15 : f32
    %max3A_199 = vector.broadcast %jit3A_198 : f32 to vector<1280x1xf32>
    %max3A_200 = arith.maximumf %max3A_199, %sub3A_197 : vector<1280x1xf32>
    %sqrt3A_201 = math.sqrt %max3A_200 : vector<1280x1xf32>
    %mul3A_202 = vector.broadcast %select_n3A_188 : vector<1x256xf32> to vector<1280x256xf32>
    %mul3A_203 = arith.mulf %select_n3A_95, %mul3A_202 : vector<1280x256xf32>
    %reduce_sum3A_204 = arith.constant dense<0.000000e+00> : vector<1280xf32>
    %reduce_sum3A_205 = vector.multi_reduction <add>, %mul3A_203, %reduce_sum3A_204 [1] : vector<1280x256xf32> to vector<1280xf32>
    %broadcast_in_dim3A_206 = vector.shape_cast %reduce_sum3A_205 : vector<1280xf32> to vector<1280x1xf32>
    %div3A_207 = arith.divf %broadcast_in_dim3A_206, %sqrt3A_201 : vector<1280x1xf32>
    %neg3A_208 = arith.constant 0.000000e+00 : f32
    %neg3A_209 = vector.broadcast %neg3A_208 : f32 to vector<1280x1xf32>
    %neg3A_210 = arith.subf %neg3A_209, %sqrt3A_201 : vector<1280x1xf32>
    %sub3A_211 = arith.constant 1.000000e+00 : f32
    %sub3A_212 = vector.broadcast %sub3A_211 : f32 to vector<1280x1xf32>
    %sub3A_213 = arith.subf %sub3A_212, %slice3A_189 : vector<1280x1xf32>
    %div3A_214 = arith.divf %sub3A_213, %sqrt3A_201 : vector<1280x1xf32>
    %mul3A_215 = vector.broadcast %div3A_214 : vector<1280x1xf32> to vector<1280x256xf32>
    %mul3A_216 = arith.mulf %mul3A_215, %select_n3A_95 : vector<1280x256xf32>
    %broadcast_in_dim3A_217 = vector.shape_cast %neg3A_210 : vector<1280x1xf32> to vector<1280x1xf32>
    %broadcast_in_dim3A_218 = vector.broadcast %broadcast_in_dim3A_217 : vector<1280x1xf32> to vector<1280x256xf32>
    %select_n3A_219 = arith.select %eq3A_43, %broadcast_in_dim3A_218, %mul3A_216 : vector<1280x256xi1>, vector<1280x256xf32>
    %mul3A_220 = vector.broadcast %div3A_207 : vector<1280x1xf32> to vector<1280x256xf32>
    %mul3A_221 = arith.mulf %mul3A_220, %select_n3A_219 : vector<1280x256xf32>
    %sub3A_222 = vector.broadcast %select_n3A_188 : vector<1x256xf32> to vector<1280x256xf32>
    %sub3A_223 = arith.subf %sub3A_222, %mul3A_221 : vector<1280x256xf32>
    %mul3A_224 = arith.mulf %select_n3A_95, %sub3A_223 : vector<1280x256xf32>
    %reduce_sum3A_225 = arith.constant dense<0.000000e+00> : vector<1280xf32>
    %reduce_sum3A_226 = vector.multi_reduction <add>, %mul3A_224, %reduce_sum3A_225 [1] : vector<1280x256xf32> to vector<1280xf32>
    %broadcast_in_dim3A_227 = vector.shape_cast %reduce_sum3A_226 : vector<1280xf32> to vector<1280x1xf32>
    %slice3A_228 = vector.extract_strided_slice %sub3A_223 {offsets = [0, 0], sizes = [1280, 1], strides = [1, 1]} : vector<1280x256xf32> to vector<1280x1xf32>
    %mul3A_229 = arith.mulf %slice3A_189, %slice3A_228 : vector<1280x1xf32>
    %sub3A_230 = arith.subf %broadcast_in_dim3A_227, %mul3A_229 : vector<1280x1xf32>
    %jit3A_231 = arith.constant 4.000000e-03 : f32
    %max3A_232 = vector.broadcast %jit3A_231 : f32 to vector<1280x1xf32>
    %max3A_233 = arith.maximumf %max3A_232, %slice3A_189 : vector<1280x1xf32>
    %div3A_234 = arith.divf %sub3A_230, %max3A_233 : vector<1280x1xf32>
    %broadcast_in_dim3A_235 = vector.shape_cast %div3A_234 : vector<1280x1xf32> to vector<1280x1xf32>
    %broadcast_in_dim3A_236 = vector.broadcast %broadcast_in_dim3A_235 : vector<1280x1xf32> to vector<1280x256xf32>
    %select_n3A_237 = arith.select %eq3A_43, %broadcast_in_dim3A_236, %sub3A_223 : vector<1280x256xi1>, vector<1280x256xf32>
    %mul3A_238 = arith.mulf %select_n3A_237, %select_n3A_237 : vector<1280x256xf32>
    %reduce_sum3A_239 = arith.constant dense<0.000000e+00> : vector<1280xf32>
    %reduce_sum3A_240 = vector.multi_reduction <add>, %mul3A_238, %reduce_sum3A_239 [1] : vector<1280x256xf32> to vector<1280xf32>
    %broadcast_in_dim3A_241 = vector.shape_cast %reduce_sum3A_240 : vector<1280xf32> to vector<1280x1xf32>
    %slice3A_242 = vector.extract_strided_slice %select_n3A_237 {offsets = [0, 0], sizes = [1280, 1], strides = [1, 1]} : vector<1280x256xf32> to vector<1280x1xf32>
    %mul3A_243 = arith.constant 2.000000e+00 : f32
    %mul3A_244 = vector.broadcast %mul3A_243 : f32 to vector<1280x1xf32>
    %mul3A_245 = arith.mulf %mul3A_244, %slice3A_242 : vector<1280x1xf32>
    %slice3A_246 = vector.extract_strided_slice %select_n3A_237 {offsets = [0, 0], sizes = [1280, 1], strides = [1, 1]} : vector<1280x256xf32> to vector<1280x1xf32>
    %mul3A_247 = arith.mulf %mul3A_245, %slice3A_246 : vector<1280x1xf32>
    %sub3A_248 = arith.subf %broadcast_in_dim3A_241, %mul3A_247 : vector<1280x1xf32>
    %jit3A_249 = arith.constant 4.000000e-03 : f32
    %max3A_250 = vector.broadcast %jit3A_249 : f32 to vector<1280x1xf32>
    %max3A_251 = arith.maximumf %max3A_250, %sub3A_248 : vector<1280x1xf32>
    %sqrt3A_252 = math.sqrt %max3A_251 : vector<1280x1xf32>
    %jit3A_253 = arith.constant 1.000000e+06 : f32
    %min3A = vector.broadcast %jit3A_253 : f32 to vector<1280x1xf32>
    %min3A_254 = arith.minimumf %min3A, %sqrt3A_252 : vector<1280x1xf32>
    %jit3A_255 = arith.constant 1.000000e-15 : f32
    %max3A_256 = vector.broadcast %jit3A_255 : f32 to vector<1280x1xf32>
    %max3A_257 = arith.maximumf %max3A_256, %min3A_254 : vector<1280x1xf32>
    %exp3A_258 = math.exp %max3A_257 : vector<1280x1xf32>
    %neg3A_259 = arith.constant 0.000000e+00 : f32
    %neg3A_260 = vector.broadcast %neg3A_259 : f32 to vector<1280x1xf32>
    %neg3A_261 = arith.subf %neg3A_260, %max3A_257 : vector<1280x1xf32>
    %exp3A_262 = math.exp %neg3A_261 : vector<1280x1xf32>
    %add3A_263 = arith.addf %exp3A_258, %exp3A_262 : vector<1280x1xf32>
    %mul3A_264 = arith.constant 5.000000e-01 : f32
    %mul3A_265 = vector.broadcast %mul3A_264 : f32 to vector<1280x1xf32>
    %mul3A_266 = arith.mulf %mul3A_265, %add3A_263 : vector<1280x1xf32>
    %mul3A_267 = vector.broadcast %mul3A_266 : vector<1280x1xf32> to vector<1280x256xf32>
    %mul3A_268 = arith.mulf %mul3A_267, %select_n3A_95 : vector<1280x256xf32>
    %exp3A_269 = math.exp %max3A_257 : vector<1280x1xf32>
    %neg3A_270 = arith.constant 0.000000e+00 : f32
    %neg3A_271 = vector.broadcast %neg3A_270 : f32 to vector<1280x1xf32>
    %neg3A_272 = arith.subf %neg3A_271, %max3A_257 : vector<1280x1xf32>
    %exp3A_273 = math.exp %neg3A_272 : vector<1280x1xf32>
    %sub3A_274 = arith.subf %exp3A_269, %exp3A_273 : vector<1280x1xf32>
    %mul3A_275 = arith.constant 5.000000e-01 : f32
    %mul3A_276 = vector.broadcast %mul3A_275 : f32 to vector<1280x1xf32>
    %mul3A_277 = arith.mulf %mul3A_276, %sub3A_274 : vector<1280x1xf32>
    %div3A_278 = arith.divf %mul3A_277, %max3A_257 : vector<1280x1xf32>
    %mul3A_279 = vector.broadcast %div3A_278 : vector<1280x1xf32> to vector<1280x256xf32>
    %mul3A_280 = arith.mulf %mul3A_279, %select_n3A_237 : vector<1280x256xf32>
    %add3A_281 = arith.addf %mul3A_268, %mul3A_280 : vector<1280x256xf32>
    %mul3A_282 = arith.mulf %add3A_281, %add3A_281 : vector<1280x256xf32>
    %reduce_sum3A_283 = arith.constant dense<0.000000e+00> : vector<1280xf32>
    %reduce_sum3A_284 = vector.multi_reduction <add>, %mul3A_282, %reduce_sum3A_283 [1] : vector<1280x256xf32> to vector<1280xf32>
    %broadcast_in_dim3A_285 = vector.shape_cast %reduce_sum3A_284 : vector<1280xf32> to vector<1280x1xf32>
    %slice3A_286 = vector.extract_strided_slice %add3A_281 {offsets = [0, 0], sizes = [1280, 1], strides = [1, 1]} : vector<1280x256xf32> to vector<1280x1xf32>
    %slice3A_287 = vector.extract_strided_slice %add3A_281 {offsets = [0, 0], sizes = [1280, 1], strides = [1, 1]} : vector<1280x256xf32> to vector<1280x1xf32>
    %mul3A_288 = arith.mulf %slice3A_286, %slice3A_287 : vector<1280x1xf32>
    %sub3A_289 = arith.subf %broadcast_in_dim3A_285, %mul3A_288 : vector<1280x1xf32>
    %add3A_290 = arith.constant 1.000000e+00 : f32
    %add3A_291 = vector.broadcast %add3A_290 : f32 to vector<1280x1xf32>
    %add3A_292 = arith.addf %add3A_291, %sub3A_289 : vector<1280x1xf32>
    %jit3A_293 = arith.constant 4.000000e-03 : f32
    %max3A_294 = vector.broadcast %jit3A_293 : f32 to vector<1280x1xf32>
    %max3A_295 = arith.maximumf %max3A_294, %add3A_292 : vector<1280x1xf32>
    %sqrt3A_296 = math.sqrt %max3A_295 : vector<1280x1xf32>
    %broadcast_in_dim3A_297 = vector.shape_cast %sqrt3A_296 : vector<1280x1xf32> to vector<1280x1xf32>
    %broadcast_in_dim3A_298 = vector.broadcast %broadcast_in_dim3A_297 : vector<1280x1xf32> to vector<1280x256xf32>
    %select_n3A_299 = arith.select %eq3A_43, %broadcast_in_dim3A_298, %add3A_281 : vector<1280x256xi1>, vector<1280x256xf32>
    %mul3A_300 = arith.mulf %select_n3A_299, %select_n3A_299 : vector<1280x256xf32>
    %reduce_sum3A_301 = arith.constant dense<0.000000e+00> : vector<1280xf32>
    %reduce_sum3A_302 = vector.multi_reduction <add>, %mul3A_300, %reduce_sum3A_301 [1] : vector<1280x256xf32> to vector<1280xf32>
    %broadcast_in_dim3A_303 = vector.shape_cast %reduce_sum3A_302 : vector<1280xf32> to vector<1280x1xf32>
    %slice3A_304 = vector.extract_strided_slice %select_n3A_299 {offsets = [0, 0], sizes = [1280, 1], strides = [1, 1]} : vector<1280x256xf32> to vector<1280x1xf32>
    %slice3A_305 = vector.extract_strided_slice %select_n3A_299 {offsets = [0, 0], sizes = [1280, 1], strides = [1, 1]} : vector<1280x256xf32> to vector<1280x1xf32>
    %mul3A_306 = arith.mulf %slice3A_304, %slice3A_305 : vector<1280x1xf32>
    %sub3A_307 = arith.subf %broadcast_in_dim3A_303, %mul3A_306 : vector<1280x1xf32>
    %add3A_308 = arith.constant 1.000000e+00 : f32
    %add3A_309 = vector.broadcast %add3A_308 : f32 to vector<1280x1xf32>
    %add3A_310 = arith.addf %add3A_309, %sub3A_307 : vector<1280x1xf32>
    %jit3A_311 = arith.constant 4.000000e-03 : f32
    %max3A_312 = vector.broadcast %jit3A_311 : f32 to vector<1280x1xf32>
    %max3A_313 = arith.maximumf %max3A_312, %add3A_310 : vector<1280x1xf32>
    %sqrt3A_314 = math.sqrt %max3A_313 : vector<1280x1xf32>
    %broadcast_in_dim3A_315 = vector.shape_cast %sqrt3A_314 : vector<1280x1xf32> to vector<1280x1xf32>
    %broadcast_in_dim3A_316 = vector.broadcast %broadcast_in_dim3A_315 : vector<1280x1xf32> to vector<1280x256xf32>
    %select_n3A_317 = arith.select %eq3A_43, %broadcast_in_dim3A_316, %select_n3A_299 : vector<1280x256xi1>, vector<1280x256xf32>
    %mul3A_318 = arith.mulf %select_n3A_317, %select_n3A_317 : vector<1280x256xf32>
    %reduce_sum3A_319 = arith.constant dense<0.000000e+00> : vector<1280xf32>
    %reduce_sum3A_320 = vector.multi_reduction <add>, %mul3A_318, %reduce_sum3A_319 [1] : vector<1280x256xf32> to vector<1280xf32>
    %broadcast_in_dim3A_321 = vector.shape_cast %reduce_sum3A_320 : vector<1280xf32> to vector<1280x1xf32>
    %slice3A_322 = vector.extract_strided_slice %select_n3A_317 {offsets = [0, 0], sizes = [1280, 1], strides = [1, 1]} : vector<1280x256xf32> to vector<1280x1xf32>
    %slice3A_323 = vector.extract_strided_slice %select_n3A_317 {offsets = [0, 0], sizes = [1280, 1], strides = [1, 1]} : vector<1280x256xf32> to vector<1280x1xf32>
    %mul3A_324 = arith.mulf %slice3A_322, %slice3A_323 : vector<1280x1xf32>
    %sub3A_325 = arith.subf %broadcast_in_dim3A_321, %mul3A_324 : vector<1280x1xf32>
    %jit3A_326 = arith.constant 1.000000e-15 : f32
    %max3A_327 = vector.broadcast %jit3A_326 : f32 to vector<1280x1xf32>
    %max3A_328 = arith.maximumf %max3A_327, %sub3A_325 : vector<1280x1xf32>
    %sqrt3A_329 = math.sqrt %max3A_328 : vector<1280x1xf32>
    %slice3A_330 = vector.extract_strided_slice %select_n3A_317 {offsets = [0, 0], sizes = [1280, 1], strides = [1, 1]} : vector<1280x256xf32> to vector<1280x1xf32>
    %jit3A_331 = arith.constant 1.004000e+00 : f32
    %max3A_332 = vector.broadcast %jit3A_331 : f32 to vector<1280x1xf32>
    %max3A_333 = arith.maximumf %max3A_332, %slice3A_330 : vector<1280x1xf32>
    %mul3A_334 = arith.mulf %max3A_333, %max3A_333 : vector<1280x1xf32>
    %sub3A_335 = arith.constant 1.000000e+00 : f32
    %sub3A_336 = vector.broadcast %sub3A_335 : f32 to vector<1280x1xf32>
    %sub3A_337 = arith.subf %mul3A_334, %sub3A_336 : vector<1280x1xf32>
    %sqrt3A_338 = math.sqrt %sub3A_337 : vector<1280x1xf32>
    %add3A_339 = arith.addf %max3A_333, %sqrt3A_338 : vector<1280x1xf32>
    %log3A_340 = math.log %add3A_339 : vector<1280x1xf32>
    %div3A_341 = arith.divf %log3A_340, %sqrt3A_329 : vector<1280x1xf32>
    %mul3A_342 = vector.broadcast %div3A_341 : vector<1280x1xf32> to vector<1280x256xf32>
    %mul3A_343 = arith.mulf %mul3A_342, %select_n3A_317 : vector<1280x256xf32>
    %jit3A_344 = arith.constant 0.000000e+00 : f32
    %broadcast_in_dim3A_345 = vector.broadcast %jit3A_344 : f32 to vector<1280x256xf32>
    %select_n3A_346 = arith.select %eq3A_43, %broadcast_in_dim3A_345, %mul3A_343 : vector<1280x256xi1>, vector<1280x256xf32>
    %slice3A_347 = vector.extract_strided_slice %select_n3A_346 {offsets = [0, 0], sizes = [1280, 128], strides = [1, 1]} : vector<1280x256xf32> to vector<1280x128xf32>
    %swap3A = arith.constant 0 : index
    %swap3A_348 = arith.constant 0 : index
    %swap3A_349 = arith.constant 0 : index
    %swap3A_350 = vector.load %arg4[%swap3A, %swap3A_348, %swap3A_349] : memref<2x1280x128xf32, #tpu.memory_space<vmem>>, vector<1x1280x128xf32>
    %swap3A_351 = vector.shape_cast %swap3A_350 : vector<1x1280x128xf32> to vector<1280x128xf32>
    %swap3A_352 = vector.shape_cast %slice3A_347 : vector<1280x128xf32> to vector<1x1280x128xf32>
    tpu.vector_store %arg4[%swap3A, %swap3A_348, %swap3A_349], %swap3A_352 {strides = array<i32>} : memref<2x1280x128xf32, #tpu.memory_space<vmem>>, vector<1x1280x128xf32>,
    %slice3A_353 = vector.extract_strided_slice %select_n3A_346 {offsets = [0, 128], sizes = [1280, 128], strides = [1, 1]} : vector<1280x256xf32> to vector<1280x128xf32>
    %swap3A_354 = arith.constant 1 : index
    %swap3A_355 = arith.constant 0 : index
    %swap3A_356 = arith.constant 0 : index
    %swap3A_357 = vector.load %arg4[%swap3A_354, %swap3A_355, %swap3A_356] : memref<2x1280x128xf32, #tpu.memory_space<vmem>>, vector<1x1280x128xf32>
    %swap3A_358 = vector.shape_cast %swap3A_357 : vector<1x1280x128xf32> to vector<1280x128xf32>
    %swap3A_359 = vector.shape_cast %slice3A_353 : vector<1280x128xf32> to vector<1x1280x128xf32>
    tpu.vector_store %arg4[%swap3A_354, %swap3A_355, %swap3A_356], %swap3A_359 {strides = array<i32>} : memref<2x1280x128xf32, #tpu.memory_space<vmem>>, vector<1x1280x128xf32>,
    return
  }
  func.func @transform_0(%arg0: i32) -> (i32, i32) {
    %c0_i32 = arith.constant 0 : i32
    %c0_i32_0 = arith.constant 0 : i32
    return %arg0, %c0_i32 : i32, i32
  }
  func.func @transform_1(%arg0: i32) -> (i32, i32) {
    %c0_i32 = arith.constant 0 : i32
    %c0_i32_0 = arith.constant 0 : i32
    %c0_i32_1 = arith.constant 0 : i32
    return %c0_i32, %c0_i32_0 : i32, i32
  }
  func.func @transform_2(%arg0: i32) -> (i32, i32) {
    %c0_i32 = arith.constant 0 : i32
    %c0_i32_0 = arith.constant 0 : i32
    %c0_i32_1 = arith.constant 0 : i32
    return %c0_i32, %c0_i32_0 : i32, i32
  }
  func.func @transform_3(%arg0: i32) -> (i32, i32, i32) {
    %c0_i32 = arith.constant 0 : i32
    %c0_i32_0 = arith.constant 0 : i32
    %c0_i32_1 = arith.constant 0 : i32
    return %c0_i32, %arg0, %c0_i32_0 : i32, i32, i32
  }
}

module attributes {stable_mosaic.version = 14 : i64} {
  func.func @_decoder_body(%arg0: i32, %arg1: memref<2x1280x128xf32, #tpu.memory_space<vmem>>, %arg2: memref<40x256xf32, #tpu.memory_space<vmem>>, %arg3: memref<1x40xf32, #tpu.memory_space<vmem>>, %arg4: memref<1280x40xf32, #tpu.memory_space<vmem>>) attributes {dimension_semantics = [#tpu.dimension_semantics<arbitrary>], iteration_bounds = array<i64: 8>, scalar_prefetch = 0 : i64, scratch_operands = 0 : i64, tpu.core_type = #tpu.core_type<tc>, window_params = [{transform_indices = @transform_0, window_bounds = array<i64: 2, 1280, 128>}, {pipeline_mode = #tpu.pipeline_mode<synchronous>, transform_indices = @transform_1, window_bounds = array<i64: 40, 256>}, {pipeline_mode = #tpu.pipeline_mode<synchronous>, transform_indices = @transform_2, window_bounds = array<i64: 1, 40>}, {transform_indices = @transform_3, window_bounds = array<i64: 1280, 40>}]} {
    %get3A = arith.constant 0 : index
    %get3A_0 = arith.constant 0 : index
    %get3A_1 = arith.constant 0 : index
    %get3A_2 = vector.load %arg1[%get3A, %get3A_0, %get3A_1] : memref<2x1280x128xf32, #tpu.memory_space<vmem>>, vector<1x1280x128xf32>
    %get3A_3 = vector.shape_cast %get3A_2 : vector<1x1280x128xf32> to vector<1280x128xf32>
    %get3A_4 = arith.constant 1 : index
    %get3A_5 = arith.constant 0 : index
    %get3A_6 = arith.constant 0 : index
    %get3A_7 = vector.load %arg1[%get3A_4, %get3A_5, %get3A_6] : memref<2x1280x128xf32, #tpu.memory_space<vmem>>, vector<1x1280x128xf32>
    %get3A_8 = vector.shape_cast %get3A_7 : vector<1x1280x128xf32> to vector<1280x128xf32>
    %concatenate3A = tpu.concatenate %get3A_3, %get3A_8 in 1 : vector<1280x128xf32>, vector<1280x128xf32> -> vector<1280x256xf32>
    %iota3A = tpu.iota {dimensions = array<i32: 1>} : vector<1280x256xi32>
    %eq3A = arith.constant 0 : i32
    %eq3A_9 = vector.broadcast %eq3A : i32 to vector<1280x256xi32>
    %eq3A_10 = arith.cmpi eq, %iota3A, %eq3A_9 : vector<1280x256xi32>
    %mul3A = arith.mulf %concatenate3A, %concatenate3A : vector<1280x256xf32>
    %reduce_sum3A = arith.constant dense<0.000000e+00> : vector<1280xf32>
    %reduce_sum3A_11 = vector.multi_reduction <add>, %mul3A, %reduce_sum3A [1] : vector<1280x256xf32> to vector<1280xf32>
    %broadcast_in_dim3A = vector.shape_cast %reduce_sum3A_11 : vector<1280xf32> to vector<1280x1xf32>
    %slice3A = vector.extract_strided_slice %concatenate3A {offsets = [0, 0], sizes = [1280, 1], strides = [1, 1]} : vector<1280x256xf32> to vector<1280x1xf32>
    %slice3A_12 = vector.extract_strided_slice %concatenate3A {offsets = [0, 0], sizes = [1280, 1], strides = [1, 1]} : vector<1280x256xf32> to vector<1280x1xf32>
    %mul3A_13 = arith.mulf %slice3A, %slice3A_12 : vector<1280x1xf32>
    %sub3A = arith.subf %broadcast_in_dim3A, %mul3A_13 : vector<1280x1xf32>
    %jit3A = arith.constant 1.000000e-15 : f32
    %max3A = vector.broadcast %jit3A : f32 to vector<1280x1xf32>
    %max3A_14 = arith.maximumf %max3A, %sub3A : vector<1280x1xf32>
    %sqrt3A = math.sqrt %max3A_14 : vector<1280x1xf32>
    %exp3A = math.exp %sqrt3A : vector<1280x1xf32>
    %neg3A = arith.constant 0.000000e+00 : f32
    %neg3A_15 = vector.broadcast %neg3A : f32 to vector<1280x1xf32>
    %neg3A_16 = arith.subf %neg3A_15, %sqrt3A : vector<1280x1xf32>
    %exp3A_17 = math.exp %neg3A_16 : vector<1280x1xf32>
    %sub3A_18 = arith.subf %exp3A, %exp3A_17 : vector<1280x1xf32>
    %mul3A_19 = arith.constant 5.000000e-01 : f32
    %mul3A_20 = vector.broadcast %mul3A_19 : f32 to vector<1280x1xf32>
    %mul3A_21 = arith.mulf %mul3A_20, %sub3A_18 : vector<1280x1xf32>
    %div3A = arith.divf %mul3A_21, %sqrt3A : vector<1280x1xf32>
    %mul3A_22 = vector.broadcast %div3A : vector<1280x1xf32> to vector<1280x256xf32>
    %mul3A_23 = arith.mulf %mul3A_22, %concatenate3A : vector<1280x256xf32>
    %exp3A_24 = math.exp %sqrt3A : vector<1280x1xf32>
    %neg3A_25 = arith.constant 0.000000e+00 : f32
    %neg3A_26 = vector.broadcast %neg3A_25 : f32 to vector<1280x1xf32>
    %neg3A_27 = arith.subf %neg3A_26, %sqrt3A : vector<1280x1xf32>
    %exp3A_28 = math.exp %neg3A_27 : vector<1280x1xf32>
    %add3A = arith.addf %exp3A_24, %exp3A_28 : vector<1280x1xf32>
    %mul3A_29 = arith.constant 5.000000e-01 : f32
    %mul3A_30 = vector.broadcast %mul3A_29 : f32 to vector<1280x1xf32>
    %mul3A_31 = arith.mulf %mul3A_30, %add3A : vector<1280x1xf32>
    %broadcast_in_dim3A_32 = vector.shape_cast %mul3A_31 : vector<1280x1xf32> to vector<1280x1xf32>
    %broadcast_in_dim3A_33 = vector.broadcast %broadcast_in_dim3A_32 : vector<1280x1xf32> to vector<1280x256xf32>
    %select_n3A = arith.select %eq3A_10, %broadcast_in_dim3A_33, %mul3A_23 : vector<1280x256xi1>, vector<1280x256xf32>
    %mul3A_34 = arith.mulf %select_n3A, %select_n3A : vector<1280x256xf32>
    %reduce_sum3A_35 = arith.constant dense<0.000000e+00> : vector<1280xf32>
    %reduce_sum3A_36 = vector.multi_reduction <add>, %mul3A_34, %reduce_sum3A_35 [1] : vector<1280x256xf32> to vector<1280xf32>
    %broadcast_in_dim3A_37 = vector.shape_cast %reduce_sum3A_36 : vector<1280xf32> to vector<1280x1xf32>
    %slice3A_38 = vector.extract_strided_slice %select_n3A {offsets = [0, 0], sizes = [1280, 1], strides = [1, 1]} : vector<1280x256xf32> to vector<1280x1xf32>
    %slice3A_39 = vector.extract_strided_slice %select_n3A {offsets = [0, 0], sizes = [1280, 1], strides = [1, 1]} : vector<1280x256xf32> to vector<1280x1xf32>
    %mul3A_40 = arith.mulf %slice3A_38, %slice3A_39 : vector<1280x1xf32>
    %sub3A_41 = arith.subf %broadcast_in_dim3A_37, %mul3A_40 : vector<1280x1xf32>
    %add3A_42 = arith.constant 1.000000e+00 : f32
    %add3A_43 = vector.broadcast %add3A_42 : f32 to vector<1280x1xf32>
    %add3A_44 = arith.addf %add3A_43, %sub3A_41 : vector<1280x1xf32>
    %jit3A_45 = arith.constant 4.000000e-03 : f32
    %max3A_46 = vector.broadcast %jit3A_45 : f32 to vector<1280x1xf32>
    %max3A_47 = arith.maximumf %max3A_46, %add3A_44 : vector<1280x1xf32>
    %sqrt3A_48 = math.sqrt %max3A_47 : vector<1280x1xf32>
    %broadcast_in_dim3A_49 = vector.shape_cast %sqrt3A_48 : vector<1280x1xf32> to vector<1280x1xf32>
    %broadcast_in_dim3A_50 = vector.broadcast %broadcast_in_dim3A_49 : vector<1280x1xf32> to vector<1280x256xf32>
    %select_n3A_51 = arith.select %eq3A_10, %broadcast_in_dim3A_50, %select_n3A : vector<1280x256xi1>, vector<1280x256xf32>
    %mul3A_52 = arith.mulf %select_n3A_51, %select_n3A_51 : vector<1280x256xf32>
    %reduce_sum3A_53 = arith.constant dense<0.000000e+00> : vector<1280xf32>
    %reduce_sum3A_54 = vector.multi_reduction <add>, %mul3A_52, %reduce_sum3A_53 [1] : vector<1280x256xf32> to vector<1280xf32>
    %broadcast_in_dim3A_55 = vector.shape_cast %reduce_sum3A_54 : vector<1280xf32> to vector<1280x1xf32>
    %slice3A_56 = vector.extract_strided_slice %select_n3A_51 {offsets = [0, 0], sizes = [1280, 1], strides = [1, 1]} : vector<1280x256xf32> to vector<1280x1xf32>
    %slice3A_57 = vector.extract_strided_slice %select_n3A_51 {offsets = [0, 0], sizes = [1280, 1], strides = [1, 1]} : vector<1280x256xf32> to vector<1280x1xf32>
    %mul3A_58 = arith.mulf %slice3A_56, %slice3A_57 : vector<1280x1xf32>
    %sub3A_59 = arith.subf %broadcast_in_dim3A_55, %mul3A_58 : vector<1280x1xf32>
    %jit3A_60 = arith.constant 1.000000e-15 : f32
    %max3A_61 = vector.broadcast %jit3A_60 : f32 to vector<1280x1xf32>
    %max3A_62 = arith.maximumf %max3A_61, %sub3A_59 : vector<1280x1xf32>
    %sqrt3A_63 = math.sqrt %max3A_62 : vector<1280x1xf32>
    %slice3A_64 = vector.extract_strided_slice %select_n3A_51 {offsets = [0, 0], sizes = [1280, 1], strides = [1, 1]} : vector<1280x256xf32> to vector<1280x1xf32>
    %jit3A_65 = arith.constant 1.004000e+00 : f32
    %max3A_66 = vector.broadcast %jit3A_65 : f32 to vector<1280x1xf32>
    %max3A_67 = arith.maximumf %max3A_66, %slice3A_64 : vector<1280x1xf32>
    %mul3A_68 = arith.mulf %max3A_67, %max3A_67 : vector<1280x1xf32>
    %sub3A_69 = arith.constant 1.000000e+00 : f32
    %sub3A_70 = vector.broadcast %sub3A_69 : f32 to vector<1280x1xf32>
    %sub3A_71 = arith.subf %mul3A_68, %sub3A_70 : vector<1280x1xf32>
    %sqrt3A_72 = math.sqrt %sub3A_71 : vector<1280x1xf32>
    %add3A_73 = arith.addf %max3A_67, %sqrt3A_72 : vector<1280x1xf32>
    %log3A = math.log %add3A_73 : vector<1280x1xf32>
    %div3A_74 = arith.divf %log3A, %sqrt3A_63 : vector<1280x1xf32>
    %mul3A_75 = vector.broadcast %div3A_74 : vector<1280x1xf32> to vector<1280x256xf32>
    %mul3A_76 = arith.mulf %mul3A_75, %select_n3A_51 : vector<1280x256xf32>
    %jit3A_77 = arith.constant 0.000000e+00 : f32
    %broadcast_in_dim3A_78 = vector.broadcast %jit3A_77 : f32 to vector<1280x256xf32>
    %select_n3A_79 = arith.select %eq3A_10, %broadcast_in_dim3A_78, %mul3A_76 : vector<1280x256xi1>, vector<1280x256xf32>
    %max3A_80 = arith.constant 0.000000e+00 : f32
    %max3A_81 = vector.broadcast %max3A_80 : f32 to vector<1280x256xf32>
    %max3A_82 = arith.maximumf %select_n3A_79, %max3A_81 : vector<1280x256xf32>
    %jit3A_83 = arith.constant 0.000000e+00 : f32
    %broadcast_in_dim3A_84 = vector.broadcast %jit3A_83 : f32 to vector<1280x256xf32>
    %select_n3A_85 = arith.select %eq3A_10, %broadcast_in_dim3A_84, %max3A_82 : vector<1280x256xi1>, vector<1280x256xf32>
    %mul3A_86 = arith.mulf %select_n3A_85, %select_n3A_85 : vector<1280x256xf32>
    %reduce_sum3A_87 = arith.constant dense<0.000000e+00> : vector<1280xf32>
    %reduce_sum3A_88 = vector.multi_reduction <add>, %mul3A_86, %reduce_sum3A_87 [1] : vector<1280x256xf32> to vector<1280xf32>
    %broadcast_in_dim3A_89 = vector.shape_cast %reduce_sum3A_88 : vector<1280xf32> to vector<1280x1xf32>
    %slice3A_90 = vector.extract_strided_slice %select_n3A_85 {offsets = [0, 0], sizes = [1280, 1], strides = [1, 1]} : vector<1280x256xf32> to vector<1280x1xf32>
    %slice3A_91 = vector.extract_strided_slice %select_n3A_85 {offsets = [0, 0], sizes = [1280, 1], strides = [1, 1]} : vector<1280x256xf32> to vector<1280x1xf32>
    %mul3A_92 = arith.mulf %slice3A_90, %slice3A_91 : vector<1280x1xf32>
    %sub3A_93 = arith.subf %broadcast_in_dim3A_89, %mul3A_92 : vector<1280x1xf32>
    %jit3A_94 = arith.constant 1.000000e-15 : f32
    %max3A_95 = vector.broadcast %jit3A_94 : f32 to vector<1280x1xf32>
    %max3A_96 = arith.maximumf %max3A_95, %sub3A_93 : vector<1280x1xf32>
    %sqrt3A_97 = math.sqrt %max3A_96 : vector<1280x1xf32>
    %exp3A_98 = math.exp %sqrt3A_97 : vector<1280x1xf32>
    %neg3A_99 = arith.constant 0.000000e+00 : f32
    %neg3A_100 = vector.broadcast %neg3A_99 : f32 to vector<1280x1xf32>
    %neg3A_101 = arith.subf %neg3A_100, %sqrt3A_97 : vector<1280x1xf32>
    %exp3A_102 = math.exp %neg3A_101 : vector<1280x1xf32>
    %sub3A_103 = arith.subf %exp3A_98, %exp3A_102 : vector<1280x1xf32>
    %mul3A_104 = arith.constant 5.000000e-01 : f32
    %mul3A_105 = vector.broadcast %mul3A_104 : f32 to vector<1280x1xf32>
    %mul3A_106 = arith.mulf %mul3A_105, %sub3A_103 : vector<1280x1xf32>
    %div3A_107 = arith.divf %mul3A_106, %sqrt3A_97 : vector<1280x1xf32>
    %mul3A_108 = vector.broadcast %div3A_107 : vector<1280x1xf32> to vector<1280x256xf32>
    %mul3A_109 = arith.mulf %mul3A_108, %select_n3A_85 : vector<1280x256xf32>
    %exp3A_110 = math.exp %sqrt3A_97 : vector<1280x1xf32>
    %neg3A_111 = arith.constant 0.000000e+00 : f32
    %neg3A_112 = vector.broadcast %neg3A_111 : f32 to vector<1280x1xf32>
    %neg3A_113 = arith.subf %neg3A_112, %sqrt3A_97 : vector<1280x1xf32>
    %exp3A_114 = math.exp %neg3A_113 : vector<1280x1xf32>
    %add3A_115 = arith.addf %exp3A_110, %exp3A_114 : vector<1280x1xf32>
    %mul3A_116 = arith.constant 5.000000e-01 : f32
    %mul3A_117 = vector.broadcast %mul3A_116 : f32 to vector<1280x1xf32>
    %mul3A_118 = arith.mulf %mul3A_117, %add3A_115 : vector<1280x1xf32>
    %broadcast_in_dim3A_119 = vector.shape_cast %mul3A_118 : vector<1280x1xf32> to vector<1280x1xf32>
    %broadcast_in_dim3A_120 = vector.broadcast %broadcast_in_dim3A_119 : vector<1280x1xf32> to vector<1280x256xf32>
    %select_n3A_121 = arith.select %eq3A_10, %broadcast_in_dim3A_120, %mul3A_109 : vector<1280x256xi1>, vector<1280x256xf32>
    %mul3A_122 = arith.mulf %select_n3A_121, %select_n3A_121 : vector<1280x256xf32>
    %reduce_sum3A_123 = arith.constant dense<0.000000e+00> : vector<1280xf32>
    %reduce_sum3A_124 = vector.multi_reduction <add>, %mul3A_122, %reduce_sum3A_123 [1] : vector<1280x256xf32> to vector<1280xf32>
    %broadcast_in_dim3A_125 = vector.shape_cast %reduce_sum3A_124 : vector<1280xf32> to vector<1280x1xf32>
    %slice3A_126 = vector.extract_strided_slice %select_n3A_121 {offsets = [0, 0], sizes = [1280, 1], strides = [1, 1]} : vector<1280x256xf32> to vector<1280x1xf32>
    %slice3A_127 = vector.extract_strided_slice %select_n3A_121 {offsets = [0, 0], sizes = [1280, 1], strides = [1, 1]} : vector<1280x256xf32> to vector<1280x1xf32>
    %mul3A_128 = arith.mulf %slice3A_126, %slice3A_127 : vector<1280x1xf32>
    %sub3A_129 = arith.subf %broadcast_in_dim3A_125, %mul3A_128 : vector<1280x1xf32>
    %add3A_130 = arith.constant 1.000000e+00 : f32
    %add3A_131 = vector.broadcast %add3A_130 : f32 to vector<1280x1xf32>
    %add3A_132 = arith.addf %add3A_131, %sub3A_129 : vector<1280x1xf32>
    %jit3A_133 = arith.constant 4.000000e-03 : f32
    %max3A_134 = vector.broadcast %jit3A_133 : f32 to vector<1280x1xf32>
    %max3A_135 = arith.maximumf %max3A_134, %add3A_132 : vector<1280x1xf32>
    %sqrt3A_136 = math.sqrt %max3A_135 : vector<1280x1xf32>
    %broadcast_in_dim3A_137 = vector.shape_cast %sqrt3A_136 : vector<1280x1xf32> to vector<1280x1xf32>
    %broadcast_in_dim3A_138 = vector.broadcast %broadcast_in_dim3A_137 : vector<1280x1xf32> to vector<1280x256xf32>
    %select_n3A_139 = arith.select %eq3A_10, %broadcast_in_dim3A_138, %select_n3A_121 : vector<1280x256xi1>, vector<1280x256xf32>
    %mul3A_140 = arith.mulf %select_n3A_139, %select_n3A_139 : vector<1280x256xf32>
    %reduce_sum3A_141 = arith.constant dense<0.000000e+00> : vector<1280xf32>
    %reduce_sum3A_142 = vector.multi_reduction <add>, %mul3A_140, %reduce_sum3A_141 [1] : vector<1280x256xf32> to vector<1280xf32>
    %broadcast_in_dim3A_143 = vector.shape_cast %reduce_sum3A_142 : vector<1280xf32> to vector<1280x1xf32>
    %slice3A_144 = vector.extract_strided_slice %select_n3A_139 {offsets = [0, 0], sizes = [1280, 1], strides = [1, 1]} : vector<1280x256xf32> to vector<1280x1xf32>
    %slice3A_145 = vector.extract_strided_slice %select_n3A_139 {offsets = [0, 0], sizes = [1280, 1], strides = [1, 1]} : vector<1280x256xf32> to vector<1280x1xf32>
    %mul3A_146 = arith.mulf %slice3A_144, %slice3A_145 : vector<1280x1xf32>
    %sub3A_147 = arith.subf %broadcast_in_dim3A_143, %mul3A_146 : vector<1280x1xf32>
    %jit3A_148 = arith.constant 1.000000e-15 : f32
    %max3A_149 = vector.broadcast %jit3A_148 : f32 to vector<1280x1xf32>
    %max3A_150 = arith.maximumf %max3A_149, %sub3A_147 : vector<1280x1xf32>
    %sqrt3A_151 = math.sqrt %max3A_150 : vector<1280x1xf32>
    %slice3A_152 = vector.extract_strided_slice %select_n3A_139 {offsets = [0, 0], sizes = [1280, 1], strides = [1, 1]} : vector<1280x256xf32> to vector<1280x1xf32>
    %jit3A_153 = arith.constant 1.004000e+00 : f32
    %max3A_154 = vector.broadcast %jit3A_153 : f32 to vector<1280x1xf32>
    %max3A_155 = arith.maximumf %max3A_154, %slice3A_152 : vector<1280x1xf32>
    %mul3A_156 = arith.mulf %max3A_155, %max3A_155 : vector<1280x1xf32>
    %sub3A_157 = arith.constant 1.000000e+00 : f32
    %sub3A_158 = vector.broadcast %sub3A_157 : f32 to vector<1280x1xf32>
    %sub3A_159 = arith.subf %mul3A_156, %sub3A_158 : vector<1280x1xf32>
    %sqrt3A_160 = math.sqrt %sub3A_159 : vector<1280x1xf32>
    %add3A_161 = arith.addf %max3A_155, %sqrt3A_160 : vector<1280x1xf32>
    %log3A_162 = math.log %add3A_161 : vector<1280x1xf32>
    %div3A_163 = arith.divf %log3A_162, %sqrt3A_151 : vector<1280x1xf32>
    %mul3A_164 = vector.broadcast %div3A_163 : vector<1280x1xf32> to vector<1280x256xf32>
    %mul3A_165 = arith.mulf %mul3A_164, %select_n3A_139 : vector<1280x256xf32>
    %jit3A_166 = arith.constant 0.000000e+00 : f32
    %broadcast_in_dim3A_167 = vector.broadcast %jit3A_166 : f32 to vector<1280x256xf32>
    %select_n3A_168 = arith.select %eq3A_10, %broadcast_in_dim3A_167, %mul3A_165 : vector<1280x256xi1>, vector<1280x256xf32>
    %get3A_169 = arith.constant 0 : index
    %get3A_170 = arith.constant 0 : index
    %get3A_171 = vector.load %arg2[%get3A_169, %get3A_170] : memref<40x256xf32, #tpu.memory_space<vmem>>, vector<40x256xf32>
    %dot_general3A = arith.constant dense<0.000000e+00> : vector<1280x40xf32>
    %dot_general3A_172 = tpu.matmul %select_n3A_168, %get3A_171, %dot_general3A {dimension_numbers = #tpu.dot_dimension_numbers<[1], [1], [0], [0], [0, 0, 1, 0], [], []>, transpose_lhs_hint = false} : vector<1280x256xf32>, vector<40x256xf32>, vector<1280x40xf32> -> vector<1280x40xf32>
    %get3A_173 = arith.constant 0 : index
    %get3A_174 = arith.constant 0 : index
    %get3A_175 = vector.load %arg3[%get3A_173, %get3A_174] : memref<1x40xf32, #tpu.memory_space<vmem>>, vector<1x40xf32>
    %add3A_176 = vector.broadcast %get3A_175 : vector<1x40xf32> to vector<1280x40xf32>
    %add3A_177 = arith.addf %dot_general3A_172, %add3A_176 : vector<1280x40xf32>
    %reduce_max3A = arith.constant dense<0xFF800000> : vector<1280xf32>
    %reduce_max3A_178 = vector.multi_reduction <maximumf>, %add3A_177, %reduce_max3A [1] : vector<1280x40xf32> to vector<1280xf32>
    %broadcast_in_dim3A_179 = vector.shape_cast %reduce_max3A_178 : vector<1280xf32> to vector<1280x1xf32>
    %sub3A_180 = vector.broadcast %broadcast_in_dim3A_179 : vector<1280x1xf32> to vector<1280x40xf32>
    %sub3A_181 = arith.subf %add3A_177, %sub3A_180 : vector<1280x40xf32>
    %exp3A_182 = math.exp %sub3A_181 : vector<1280x40xf32>
    %reduce_sum3A_183 = arith.constant dense<0.000000e+00> : vector<1280xf32>
    %reduce_sum3A_184 = vector.multi_reduction <add>, %exp3A_182, %reduce_sum3A_183 [1] : vector<1280x40xf32> to vector<1280xf32>
    %broadcast_in_dim3A_185 = vector.shape_cast %reduce_sum3A_184 : vector<1280xf32> to vector<1280x1xf32>
    %log3A_186 = math.log %broadcast_in_dim3A_185 : vector<1280x1xf32>
    %sub3A_187 = vector.broadcast %log3A_186 : vector<1280x1xf32> to vector<1280x40xf32>
    %sub3A_188 = arith.subf %sub3A_181, %sub3A_187 : vector<1280x40xf32>
    %swap3A = arith.constant 0 : index
    %swap3A_189 = arith.constant 0 : index
    %swap3A_190 = vector.load %arg4[%swap3A, %swap3A_189] : memref<1280x40xf32, #tpu.memory_space<vmem>>, vector<1280x40xf32>
    tpu.vector_store %arg4[%swap3A, %swap3A_189], %sub3A_188 {strides = array<i32>} : memref<1280x40xf32, #tpu.memory_space<vmem>>, vector<1280x40xf32>,
    return
  }
  func.func @transform_0(%arg0: i32) -> (i32, i32, i32) {
    %c0_i32 = arith.constant 0 : i32
    %c0_i32_0 = arith.constant 0 : i32
    %c0_i32_1 = arith.constant 0 : i32
    return %c0_i32, %arg0, %c0_i32_0 : i32, i32, i32
  }
  func.func @transform_1(%arg0: i32) -> (i32, i32) {
    %c0_i32 = arith.constant 0 : i32
    %c0_i32_0 = arith.constant 0 : i32
    %c0_i32_1 = arith.constant 0 : i32
    return %c0_i32, %c0_i32_0 : i32, i32
  }
  func.func @transform_2(%arg0: i32) -> (i32, i32) {
    %c0_i32 = arith.constant 0 : i32
    %c0_i32_0 = arith.constant 0 : i32
    %c0_i32_1 = arith.constant 0 : i32
    return %c0_i32, %c0_i32_0 : i32, i32
  }
  func.func @transform_3(%arg0: i32) -> (i32, i32) {
    %c0_i32 = arith.constant 0 : i32
    %c0_i32_0 = arith.constant 0 : i32
    return %arg0, %c0_i32 : i32, i32
  }
}

</mosaic_0001>

<sc_bundles>
// kernel: kernel.5.cloned.1.call-start
scs
__scs_entry_jumppad:
0x0: {  	(pc) =	sbr.rel $0x88, $3  }
0x1: {  	(tag) =	ssettag $0x0;
	lr =	simm.s32 $0x1  }
0x2: {  	[smem:$0x3F9B] =	sst lr;
	_ =	strace $0xD0000000  }
0x3: {  	_ = 	snop  }
0x4: {  	_ = 	snop  }
0x5: {  	_ = 	snop  }
0x6: {  	_ = 	snop  }
0x7: {  	_ = 	snop  }
__scs_overlays_trampoline_lowered:
0x8: {  	[smem:$0x3FAA] =	sst s0  }
0x9: {  	[smem:$0x3FAB] =	sst s1  }
0xa: {  	[smem:$0x3FAC] =	sst s2  }
0xb: {  	[smem:$0x3FAD] =	sst s3  }
0xc: {  	[smem:$0x3FAE] =	sst s4  }
0xd: {  	[smem:$0x3FAF] =	sst s5  }
0xe: {  	[smem:$0x3FB0] =	sst s6  }
0xf: {  	[smem:$0x3FB1] =	sst s7  }
0x10: {  	[smem:$0x3FB2] =	sst s8  }
0x11: {  	[smem:$0x3FB3] =	sst s9;
	s0 =	simm.s32 @!p0 $0x0  }
0x12: {  	s1 =	sld [smem:$0x3F99];
	s0 =	simm.s32 @p0 $0x1  }
0x13: {  	[smem:$0x3FB4] =	sst s0;
	s0 =	simm.s32 @!p1 $0x0  }
0x14: {  	s2 =	sld [smem:$0x3F98];
	s0 =	simm.s32 @p1 $0x1  }
0x15: {  	[smem:$0x3FB5] =	sst s0;
	s0 =	simm.s32 @!p2 $0x0  }
0x16: {  	s3 =	sld [smem:$0x3FDB];
	s0 =	simm.s32 @p2 $0x1  }
0x17: {  	s4 =	simm.s32 $0x1BF5;
	[smem:$0x3FB7] =	sst s0  }
0x18: {  	s0 =	sld [smem:$0x3F9A];
	_ =	swait.ge [sflag:s4], $0x0  }
0x19: {  	s7 =	sld [smem:$0x3F9B]  }
0x1a: {  	s8 =	sadd.s32 $0xFFFFE003, lr  }
0x1b: {  	s9 =	sadd.s32 $0xFFFFFEF7, lr;
	s5 =	simm.s32 $0xFFFFFFFF;
	p2 =	slt.u32 s8, $0xFFFFF086  }
0x1c: {  	p1 =	slt.u32 s9, $0xF7A;
	s5 =	simm.s32 @!p2 $0x0  }
0x1d: {  	s5 =	simm.s32 @p1 $0x1;
	p0 =	seq.s32 s7, s2  }
0x1e: {  	s7 =	smul.u32 @!p0 $0xF7A, s2;
	p2 =	seq.s32 @!p0 s5, $0x0  }
0x1f: {  	s9 =	smul.u32 $0xF7A, s1;
	s8 =	simm.s32 @!p0 $0x1BF5;
	p2 =	por !p2, p0  }
0x20: {  	[sflag:s8] =	ssyncset.s32 @!p0 $0xFFFFF086;
	s6 =	sadd.s32 @!p0 s3, s7;
	s7 =	simm.s32 @!p0 $0x108  }
0x21: {  	s3 =	sadd.s32 s3, s9;
	s6 =	sadd.s32 @!p0 $0x88, s6;
	s7 =	simm.s32 @p2 $0x1082  }
0x22: {  	[simem:s7], [sflag:s8] =	dma.local @!p0 [hbm:s6], $0xF7A  }
0x23: {  	s9 =	sor.u32 $0xD0000000, s2;
	s6 =	simm.s32 $0x108;
	_ =	swait.ge @!p0 [sflag:s8], $0x0  }
0x24: {  	s3 =	sadd.s32 $0x88, s3;
	s6 =	simm.s32 @!p1 $0x1082;
	[sflag:s4] =	ssyncset.s32 $0xFFFFF086  }
0x25: {  	[simem:s6], [sflag:s4] =	dma.local [hbm:s3], $0xF7A  }
0x26: {  	[smem:$0x3F9B] =	sst s1;
	(tag) =	ssettag s2;
	_ =	strace s9  }
0x27: {  	s1 =	sld [smem:$0x3FAB]  }
0x28: {  	s2 =	sld [smem:$0x3FAC]  }
0x29: {  	s4 =	sld [smem:$0x3FAE]  }
0x2a: {  	p0 =	seq.s32 s5, $0x0;
	s5 =	sld [smem:$0x3FAF]  }
0x2b: {  	s6 =	sld [smem:$0x3FB0]  }
0x2c: {  	s7 =	sld [smem:$0x3FB1]  }
0x2d: {  	s3 =	simm.s32 $0x108;
	s8 =	sld [smem:$0x3FB2]  }
0x2e: {  	s3 =	simm.s32 @!p0 $0x1082;
	s9 =	sld [smem:$0x3FB3]  }
0x2f: {  	lr =	sadd.s32 s0, s3;
	s0 =	sld [smem:$0x3FAA]  }
0x30: {  	s3 =	sld [smem:$0x3FAD]  }
0x31: {  	[smem:$0x3FB6] =	sst s10  }
0x32: {  	s10 =	sld [smem:$0x3FB4];
	_ =	sdelay $0x3  }
0x33: {  	p0 =	seq.s32 s10, $0x1;
	s10 =	sld [smem:$0x3FB6];
	_ =	sdelay $0x3  }
0x34: {  	[smem:$0x3FB6] =	sst s10  }
0x35: {  	s10 =	sld [smem:$0x3FB5];
	_ =	sdelay $0x3  }
0x36: {  	p1 =	seq.s32 s10, $0x1;
	s10 =	sld [smem:$0x3FB6];
	_ =	sdelay $0x3  }
0x37: {  	[smem:$0x3FB6] =	sst s10  }
0x38: {  	s10 =	sld [smem:$0x3FB7]  }
0x39: {  	_ = 	snop;
	(pc) =	sbr.ind lr, $3  }
0x3a: {  	_ = 	snop  }
0x3b: {  	_ = 	snop  }
0x3c: {  	p2 =	seq.s32 s10, $0x1;
	s10 =	sld [smem:$0x3FB6]  }
0x3d: {  	_ =	shalt  }
0x3e: {  	_ =	shalt  }
0x3f: {  	_ =	shalt  }
0x40: {  	_ =	shalt  }
0x41: {  	_ =	shalt  }
0x42: {  	_ =	shalt  }
0x43: {  	_ =	shalt  }
0x44: {  	_ =	shalt  }
0x45: {  	_ =	shalt  }
0x46: {  	_ =	shalt  }
0x47: {  	_ =	shalt  }
0x48: {  	_ =	shalt  }
0x49: {  	_ =	shalt  }
0x4a: {  	_ =	shalt  }
0x4b: {  	_ =	shalt  }
0x4c: {  	_ =	shalt  }
0x4d: {  	_ =	shalt  }
0x4e: {  	_ =	shalt  }
0x4f: {  	_ =	shalt  }
0x50: {  	_ =	shalt  }
0x51: {  	_ =	shalt  }
0x52: {  	_ =	shalt  }
0x53: {  	_ =	shalt  }
0x54: {  	_ =	shalt  }
0x55: {  	_ =	shalt  }
0x56: {  	_ =	shalt  }
0x57: {  	_ =	shalt  }
0x58: {  	_ =	shalt  }
0x59: {  	_ =	shalt  }
0x5a: {  	_ =	shalt  }
0x5b: {  	_ =	shalt  }
0x5c: {  	_ =	shalt  }
0x5d: {  	_ =	shalt  }
0x5e: {  	_ =	shalt  }
0x5f: {  	_ =	shalt  }
0x60: {  	_ =	shalt  }
0x61: {  	_ =	shalt  }
0x62: {  	_ =	shalt  }
0x63: {  	_ =	shalt  }
0x64: {  	_ =	shalt  }
0x65: {  	_ =	shalt  }
0x66: {  	_ =	shalt  }
0x67: {  	_ =	shalt  }
0x68: {  	_ =	shalt  }
0x69: {  	_ =	shalt  }
0x6a: {  	_ =	shalt  }
0x6b: {  	_ =	shalt  }
0x6c: {  	_ =	shalt  }
0x6d: {  	_ =	shalt  }
0x6e: {  	_ =	shalt  }
0x6f: {  	_ =	shalt  }
0x70: {  	_ =	shalt  }
0x71: {  	_ =	shalt  }
0x72: {  	_ =	shalt  }
0x73: {  	_ =	shalt  }
0x74: {  	_ =	shalt  }
0x75: {  	_ =	shalt  }
0x76: {  	_ =	shalt  }
0x77: {  	_ =	shalt  }
0x78: {  	_ =	shalt  }
0x79: {  	_ =	shalt  }
0x7a: {  	_ =	shalt  }
0x7b: {  	_ =	shalt  }
0x7c: {  	_ =	shalt  }
0x7d: {  	_ =	shalt  }
0x7e: {  	_ =	shalt  }
0x7f: {  	_ =	shalt  }
0x80: {  	_ =	shalt  }
0x81: {  	_ =	shalt  }
0x82: {  	_ =	shalt  }
0x83: {  	_ =	shalt  }
0x84: {  	_ =	shalt  }
0x85: {  	_ =	shalt  }
0x86: {  	_ =	shalt  }
0x87: {  	_ =	shalt  }
.Lfunc_end0:
.L_simem_size_0:
called_computation_lowered:
.L_overlay_start_0:
0x88: {  	s2 =	sld [smem:$0x3FD9]  }
0x89: {  	s3 =	sld [smem:$0x3FFE];
	_ =	sdelay $0x1  }
0x8a: {  	s1 =	srdreg.scid  }
0x8b: {  	s0 =	sand.u32 $0x1, s1  }
0x8c: {  	s17 =	sshll.u32 s0, $0xA;
	s2 =	sadd.s32 s3, s2  }
0x8d: {  	s2 =	sadd.s32 s2, s17  }
0x8e: {  	[smem:$0x3FC2] =	sst s2  }
0x8f: {  	_ = 	snop  }
0x90: {  	s2 =	sld [smem:$0x3FD0];
	(tm) =	ssettm $0x1  }
0x91: {  	s18 =	sld [smem:$0x3FFB];
	_ =	sdelay $0x3  }
0x92: {  	_ =	strace s18  }
0x93: {  	s3 =	sld [smem:$0x3FFC];
	_ =	sdelay $0x3  }
0x94: {  	_ =	strace s3  }
0x95: {  	s3 =	sld [smem:$0x3FFD];
	_ =	sdelay $0x3  }
0x96: {  	_ =	strace s3  }
0x97: {  	_ =	strace $0x8FFFFFFF  }
0x98: {  	s19 =	sld [smem:$0x3FDB];
	_ =	sdelay $0x1  }
0x99: {  	s4 =	simm.s32 $_scs_section_size  }
0x9a: {  	s5 =	simm.s32 $_size__tile_overlayer_lowered;
	s6 =	simm.s32 $_tile_overlayer_lowered  }
0x9b: {  	s22 =	simm.s32 $0x1BFF;
	s21 =	sshll.u32 s6, $0x1;
	s3 =	sadd.s32 s4, s19  }
0x9c: {  	s7 =	simm.s32 $0x0;
	s20 =	sshll.u32 s5, $0x1;
	s5 =	sadd.s32 s21, s3  }
0x9d: {  	[timem:s7], [sflag:s22] =	dma.local [hbm:s5], s20  }
0x9e: {  	_ =	swait.ge [sflag:s22], s20  }
0x9f: {  	s4 =	ssub.s32 $0x0, s20;
	[sflag:s22] =	ssyncset.done $0x0  }
0xa0: {  	[sflag:s22] =	ssyncadd.s32 s4;
	_ =	sdelay $0x1  }
0xa1: {  	s23 =	simm.s32 $0x1B8B  }
0xa2: {  	_ =	swait.ge [sflag:s23], $0x1  }
0xa3: {  	[sflag:s23] =	ssyncset.done $0x0  }
0xa4: {  	s25 =	simm.s32 $0x1B8E;
	s24 =	sld [smem:$0x3FFE];
	[sflag:s23] =	ssyncadd.s32 $0xFFFFFFFF  }
0xa5: {  	s26 =	simm.s32 $execute0_lowered;
	[smem:$0x3FD2] =	sst s25  }
0xa6: {  	s5 =	sshll.u32 s26, $0x1;
	_ =	strace $0x80000046;
	[dreg:$0x1] =	wrdreg $0xFFFFFFFF  }
0xa7: {  	s28 =	simm.s32 $_size_execute0_lowered;
	s3 =	sadd.s32 s3, s5;
	[dreg:$0x0] =	wrdreg $0x0  }
0xa8: {  	s5 =	sshll.u32 s28, $0x1;
	[dreg:$0x2] =	wrdreg s3  }
0xa9: {  	[dreg:$0x3] =	wrdreg s5  }
0xaa: {  	[dreg:$0x4] =	wrdreg $0xC0  }
0xab: {  	_ =	task [dreg:s7], $0x5FFFF  }
0xac: {  	[dreg:$0x1] =	wrdreg $0xFFFFFFFF  }
0xad: {  	[dreg:$0x0] =	wrdreg $0x60  }
0xae: {  	[dreg:$0x2] =	wrdreg s24  }
0xaf: {  	[dreg:$0x3] =	wrdreg s2  }
0xb0: {  	[dreg:$0x4] =	wrdreg $0x82000  }
0xb1: {  	[dreg:$0x5] =	wrdreg $0x9  }
0xb2: {  	_ =	task.clear_ibuf [dreg:s7], $0x6FFFF;
	_ =	strace $0x90000046  }
0xb3: {  	s29 =	simm.s32 $0x9;
	_ =	strace $0x80000048  }
0xb4: {  	_ =	swait.ge [sflag:s29], $0x1  }
0xb5: {  	[sflag:s29] =	ssyncadd.s32 $0xFFFFFFFF  }
0xb6: {  	_ =	strace $0x90000048  }
0xb7: {  	_ =	sfence  }
0xb8: {  	s30 =	sld [smem:$0x0];
	_ =	sdelay $0x2  }
0xb9: {  	s31 =	sshll.u32 s1, $0xD;
	s1 =	sshrl.u32 s1, $0x2  }
0xba: {  	s3 =	sand.u32 $0x4000, s31;
	s1 =	sadd.s32 s1, s30  }
0xbb: {  	s0 =	sor.u32 s3, s0;
	s1 =	sshll.u32 s1, $0x11  }
0xbc: {  	s0 =	sor.u32 s1, s0  }
0xbd: {  	s0 =	sadd.s32 $0x8F2B, s0  }
0xbe: {  	[sflag:s0] =	ssyncadd.remote.s32 $0x1  }
0xbf: {  	_ =	sfence.sel $0xFFFF  }
0xc0: {  	[dreg:$0x0] =	wrdreg $0xFFFFFFFF;
	(pc) =	sbr.abs _section_cstart, $3  }
0xc1: {  	[dreg:$0x1] =	wrdreg $0xFFFFFFFF  }
0xc2: {  	_ =	task.clear_ibuf [dreg:s7], $0x2FFFF;
	_ =	strace $0x9FFFFFFF  }
0xc3: {  	(tm) =	ssettm $0x7FFFFFFF  }
tec
execute0_lowered:
.L_overlay_start_1:
0x0: {  	(tag) =	ssettag $0x1  }
0x1: {  	s5 =	rddreg [dreg:$0x0]  }
0x2: {  	s15 =	rddreg [dreg:$0x1]  }
0x3: {  	s2 =	rddreg [dreg:$0x2]  }
0x4: {  	s0 =	rddreg [dreg:$0x3]  }
0x5: {  	s4 =	srdreg.scid;
	s1 =	stileid.u32  }
0x6: {  	s3 =	simm.s32 $0x0;
	s17 =	simm.s32 $0x3;
	s18 =	simm.s32 $0x80  }
0x7: {  	s19 =	simm.s32 $0x100;
	s20 =	simm.s32 $0x180;
	s7 =	smul.u32 $0x280, s1  }
0x8: {  	s21 =	simm.s32 $0x4200;
	s23 =	simm.s32 $0x2;
	s8 =	smul.u32 $0x50000, s1  }
0x9: {  	s24 =	simm.s32 $0x0;
	s6 =	sand.u32 $0x1, s4;
	s10 =	smul.u32 $0x4F00, s1  }
0xa: {  	[smem:$0x7FF] =	sst s3;
	s4 =	sadd.s32 $0xAC00, s5;
	s16 =	smul.u32 $0x9E0, s1  }
0xb: {  	s14 =	sadd.s32 $0xE00, s5;
	s22 =	smul.u32 $0x2800, s6;
	s6 =	ssub.s32 $0x2, s6  }
0xc: {  	_ =	strace $0x80000047;
	s30 =	sshrl.u32 s6, $0x1;
	s31 =	sshrl.u32 s8, $0x2  }
0xd: {  	s11 =	sshrl.u32 s10, $0x3;
	s7 =	sadd.s32 s7, s22;
	s13 =	ssub.s32 s6, s30  }
0xe: {  	s10 =	sadd.s32 s15, s11;
	s11 =	sadd.s32 s14, s11;
	s14 =	sadd.s32 s16, s14  }
0xf: {  	s15 =	sadd.s32 s16, s15;
	s16 =	simm.s32 $0x200;
	s7 =	sshll.u32 s7, $0x4  }
0x10: {  	v0 =	vmov s22;
	s22 =	simm.s32 $0x1;
	s12 =	sadd.s32 s7, s5;
	s5 =	sadd.s32 s31, s2  }
0x11: {  	s13 =	smax.u32 s13, $0x1;
	s6 =	sadd.s32 $0x4000, s5;
	s7 =	sadd.s32 $0x8000, s5  }
0x12: {  	v1 =	vimm.f32 $0.0e+00;
	s8 =	sadd.s32 $0xC000, s5;
	s9 =	sadd.s32 $0x10000, s5;
	s12 =	sadd.s32 $0x5AC00, s12  }
.LBB2_1:
0x13: {  	s25 =	simm.s32 $0x0;
	s26 =	simm.s32 $0x200  }
.LBB2_2:
0x14: {  	p0 =	sne.s32 s26, $0xFE00;
	[tilespmem:s25+$0x270] =	vst v1  }
0x15: {  	[tilespmem:s25+$0x200] =	vst v1  }
0x16: {  	[tilespmem:s25+$0x210] =	vst v1  }
.Ltmp0:
0x17: {  	[tilespmem:s25+$0x220] =	vst v1;
	(pc) =	sbr.rel @p0 .LBB2_2-.Ltmp0, $4  }
0x18: {  	[tilespmem:s25+$0x230] =	vst v1  }
0x19: {  	[tilespmem:s25+$0x240] =	vst v1  }
0x1a: {  	[tilespmem:s25+$0x250] =	vst v1  }
0x1b: {  	[tilespmem:s25+$0x260] =	vst v1;
	s25 =	sshra.s32 s26, $0x2;
	s26 =	sadd.s32 $0x200, s26  }
0x1c: {  	[tilespmem:s25+$0x270] =	vst v1  }
0x1d: {  	[tilespmem:s25+$0x200] =	vst v1  }
0x1e: {  	[tilespmem:s25+$0x210] =	vst v1  }
0x1f: {  	[tilespmem:s25+$0x220] =	vst v1  }
0x20: {  	[tilespmem:s25+$0x230] =	vst v1  }
0x21: {  	[tilespmem:s25+$0x240] =	vst v1  }
0x22: {  	[tilespmem:s25+$0x250] =	vst v1  }
0x23: {  	[tilespmem:s25+$0x260] =	vst v1  }
0x24: {  	[spmem:s5] =	stream.linear.scatter [tilespmem:s16], [sflag:$0x3], $0x4000, $0x38;
	[tilespmem:$0x1C200] =	vst v63  }
0x25: {  	_ =	swait.ge [sflag:s17], $0x4000  }
0x26: {  	[sflag:s17] =	ssyncset.done $0x0  }
0x27: {  	[sflag:s17] =	ssyncadd.s32 $0xFFFFC000  }
0x28: {  	[spmem:s6] =	stream.linear.scatter [tilespmem:s16], [sflag:$0x3], $0x4000, $0x38;
	[tilespmem:$0x1C200] =	vst v63  }
0x29: {  	_ =	swait.ge [sflag:s17], $0x4000  }
0x2a: {  	[sflag:s17] =	ssyncset.done $0x0  }
0x2b: {  	[sflag:s17] =	ssyncadd.s32 $0xFFFFC000  }
0x2c: {  	[spmem:s7] =	stream.linear.scatter [tilespmem:s16], [sflag:$0x3], $0x4000, $0x38;
	[tilespmem:$0x1C200] =	vst v63  }
0x2d: {  	_ =	swait.ge [sflag:s17], $0x4000  }
0x2e: {  	[sflag:s17] =	ssyncset.done $0x0  }
0x2f: {  	[sflag:s17] =	ssyncadd.s32 $0xFFFFC000  }
0x30: {  	[spmem:s8] =	stream.linear.scatter [tilespmem:s16], [sflag:$0x3], $0x4000, $0x38;
	[tilespmem:$0x1C200] =	vst v63  }
0x31: {  	_ =	swait.ge [sflag:s17], $0x4000  }
0x32: {  	[sflag:s17] =	ssyncset.done $0x0  }
0x33: {  	[sflag:s17] =	ssyncadd.s32 $0xFFFFC000  }
0x34: {  	[spmem:s9] =	stream.linear.scatter [tilespmem:s16], [sflag:$0x3], $0x4000, $0x38;
	[tilespmem:$0x1C200] =	vst v63  }
0x35: {  	_ =	swait.ge [sflag:s17], $0x4000  }
0x36: {  	[sflag:s17] =	ssyncset.done $0x0  }
0x37: {  	[sflag:s17] =	ssyncadd.s32 $0xFFFFC000  }
0x38: {  	s25 =	simm.s32 $0x0;
	[bflag:$0x0] =	sbarrier.arrive $0xFFFF  }
0x39: {  	[tilespmem:s25], [sflag:$0x3] =	stream.linear.gather [hbm4b:s10+s25], $0x80, $0x38;
	[tilespmem:$0x1C200] =	vst v63  }
0x3a: {  	_ =	swait.ge [sflag:s17], $0x80  }
0x3b: {  	[sflag:s17] =	ssyncset.done $0x0  }
0x3c: {  	[sflag:s17] =	ssyncadd.s32 $0xFFFFFF80  }
0x3d: {  	[tilespmem:s18], [sflag:$0x3] =	stream.linear.gather [hbm4b:s11+s25], $0x80, $0x38;
	[tilespmem:$0x1C200] =	vst v63  }
0x3e: {  	_ =	swait.ge [sflag:s17], $0x80  }
0x3f: {  	[sflag:s17] =	ssyncset.done $0x0  }
0x40: {  	[sflag:s17] =	ssyncadd.s32 $0xFFFFFF80  }
0x41: {  	v2 =	vld [tilespmem:$0x0]  }
0x42: {  	v3 =	vld [tilespmem:$0x10]  }
0x43: {  	v4 =	vld [tilespmem:$0x20]  }
0x44: {  	v5 =	vld [tilespmem:$0x30]  }
0x45: {  	v6 =	vld [tilespmem:$0x40]  }
0x46: {  	v7 =	vld [tilespmem:$0x50];
	v2 =	vadd.s32 v0, v2  }
0x47: {  	[tilespmem:$0x0] =	vst v2;
	v2 =	vadd.s32 v0, v3;
	v3 =	vld [tilespmem:$0x60]  }
0x48: {  	v63 =	vld [tilespmem:$0x70];
	[tilespmem:$0x10] =	vst v2;
	v2 =	vadd.s32 v0, v4  }
0x49: {  	[tilespmem:$0x20] =	vst v2;
	v2 =	vadd.s32 v0, v5  }
0x4a: {  	[tilespmem:$0x30] =	vst v2;
	v2 =	vadd.s32 v0, v6  }
0x4b: {  	[tilespmem:$0x40] =	vst v2;
	v2 =	vadd.s32 v0, v7  }
0x4c: {  	[tilespmem:$0x50] =	vst v2;
	v2 =	vadd.s32 v0, v3  }
0x4d: {  	[tilespmem:$0x60] =	vst v2;
	v2 =	vadd.s32 v0, v63  }
0x4e: {  	s26 =	sadd.s32 $0x0, s15;
	[tilespmem:$0x70] =	vst v2  }
0x4f: {  	[tilespmem:s16], [sflag:$0x1] =	stream.indirect.gather [hbm4b:s4+s18], $0x80, s25, s18, $0xb8;
	[tilespmem:$0x1C200] =	vst v63  }
0x50: {  	s26 =	sadd.s32 $0x10, s26  }
0x51: {  	[tilespmem:s19], [sflag:$0x3] =	stream.linear.gather [hbm4b:s26+s3], $0x80, $0x38;
	[tilespmem:$0x1C200] =	vst v63  }
0x52: {  	s26 =	simm.s32 $0x20  }
.LBB2_4:
0x53: {  	_ =	swait.ge [sflag:s17], $0x80;
	s28 =	smov.u32 s26;
	s26 =	sadd.s32 $0x20, s26  }
0x54: {  	s29 =	sadd.s32 s25, s14;
	p0 =	sne.s32 s26, $0x9E0;
	[sflag:s17] =	ssyncset.done $0x0  }
0x55: {  	s29 =	sadd.s32 $0x10, s29;
	[sflag:s17] =	ssyncadd.s32 $0xFFFFFF80  }
0x56: {  	[tilespmem:s20], [sflag:$0x3] =	stream.linear.gather [hbm4b:s29+s3], $0x80, $0x38;
	[tilespmem:$0x1C200] =	vst v63  }
0x57: {  	_ =	swait.ge [sflag:s17], $0x80  }
0x58: {  	[sflag:s17] =	ssyncset.done $0x0  }
0x59: {  	[sflag:s17] =	ssyncadd.s32 $0xFFFFFF80  }
0x5a: {  	v2 =	vld [tilespmem:$0x140]  }
0x5b: {  	v3 =	vld [tilespmem:$0x130]  }
0x5c: {  	v4 =	vld [tilespmem:$0x170]  }
0x5d: {  	v5 =	vld [tilespmem:$0x160]  }
0x5e: {  	v6 =	vld [tilespmem:$0x150]  }
0x5f: {  	v7 =	vld [tilespmem:$0x120];
	v2 =	vadd.s32 v0, v2  }
0x60: {  	v8 =	vld [tilespmem:$0x100];
	v3 =	vadd.s32 v0, v3;
	[tilespmem:$0x140] =	vst v2  }
0x61: {  	v2 =	vld [tilespmem:$0x110];
	[tilespmem:$0x130] =	vst v3;
	v3 =	vadd.s32 v0, v4  }
0x62: {  	v4 =	vadd.s32 v0, v5;
	[tilespmem:$0x170] =	vst v3  }
0x63: {  	v3 =	vadd.s32 v0, v6;
	[tilespmem:$0x160] =	vst v4  }
0x64: {  	v4 =	vadd.s32 v0, v7;
	[tilespmem:$0x150] =	vst v3  }
0x65: {  	v3 =	vadd.s32 v0, v8;
	[tilespmem:$0x120] =	vst v4  }
0x66: {  	[tilespmem:$0x100] =	vst v3;
	v2 =	vadd.s32 v0, v2  }
0x67: {  	[tilespmem:$0x110] =	vst v2  }
0x68: {  	[tilespmem:s21], [sflag:$0x2] =	stream.indirect.gather [hbm4b:s4+s18], $0x80, s19, s18, $0xb8;
	[tilespmem:$0x1C200] =	vst v63  }
0x69: {  	_ =	swait.ge [sflag:s22], $0x4000  }
0x6a: {  	[sflag:s22] =	ssyncset.done $0x0  }
0x6b: {  	[sflag:s22] =	ssyncadd.s32 $0xFFFFC000  }
0x6c: {  	[spmem:s2] =	stream.indirect.scatter.add.f32 [tilespmem:s16], [sflag:$0x3], $0x80, s18, s18, $0xb8;
	[tilespmem:$0x1C200] =	vst v63  }
0x6d: {  	p1 =	seq.s32 s25, $0x9C0;
	_ =	swait.ge [sflag:s17], $0x4000  }
0x6e: {  	s30 =	simm.s32 @!p1 $0x3;
	s29 =	sadd.s32 @!p1 s25, s15;
	[sflag:s17] =	ssyncset.done $0x0  }
0x6f: {  	s31 =	simm.s32 @!p1 $0x0;
	s29 =	sadd.s32 @!p1 $0x20, s29;
	[sflag:s17] =	ssyncadd.s32 $0xFFFFC000  }
0x70: {  	[tilespmem:s31], [sflag:$0x3] =	stream.linear.gather @!p1 [hbm4b:s29+s31], $0x80, $0x38;
	[tilespmem:$0x1C200] =	vst v63  }
0x71: {  	s29 =	sadd.s32 @!p1 s25, s14;
	s25 =	smov.u32 s28;
	_ =	swait.ge @!p1 [sflag:s30], $0x80  }
0x72: {  	s28 =	sadd.s32 @!p1 $0x20, s29;
	[sflag:s30] =	ssyncset.done @!p1 $0x0  }
0x73: {  	s29 =	simm.s32 @!p1 $0x80;
	[sflag:s30] =	ssyncadd.s32 @!p1 $0xFFFFFF80  }
0x74: {  	[tilespmem:s29], [sflag:$0x3] =	stream.linear.gather @!p1 [hbm4b:s28+s31], $0x80, $0x38;
	[tilespmem:$0x1C200] =	vst v63  }
0x75: {  	_ =	swait.ge @!p1 [sflag:s30], $0x80  }
0x76: {  	[sflag:s30] =	ssyncset.done @!p1 $0x0  }
0x77: {  	[sflag:s30] =	ssyncadd.s32 @!p1 $0xFFFFFF80  }
0x78: {  	v2 =	vld @!p1 [tilespmem:$0x70]  }
0x79: {  	v3 =	vld @!p1 [tilespmem:$0x60]  }
0x7a: {  	v4 =	vld @!p1 [tilespmem:$0x20]  }
0x7b: {  	v5 =	vld @!p1 [tilespmem:$0x30]  }
0x7c: {  	v6 =	vld @!p1 [tilespmem:$0x50]  }
0x7d: {  	v7 =	vld @!p1 [tilespmem:$0x10];
	v2 =	vadd.s32 @!p1 v0, v2  }
0x7e: {  	v8 =	vld @!p1 [tilespmem:$0x0];
	v3 =	vadd.s32 @!p1 v0, v3;
	[tilespmem:$0x70] =	vst @!p1 v2  }
0x7f: {  	v2 =	vadd.s32 @!p1 v0, v4;
	v4 =	vld @!p1 [tilespmem:$0x40];
	[tilespmem:$0x60] =	vst @!p1 v3  }
0x80: {  	[tilespmem:$0x20] =	vst @!p1 v2;
	v2 =	vadd.s32 @!p1 v0, v5  }
0x81: {  	[tilespmem:$0x30] =	vst @!p1 v2;
	v2 =	vadd.s32 @!p1 v0, v6  }
0x82: {  	v3 =	vadd.s32 @!p1 v0, v7;
	[tilespmem:$0x50] =	vst @!p1 v2  }
0x83: {  	v2 =	vadd.s32 @!p1 v0, v8;
	[tilespmem:$0x10] =	vst @!p1 v3  }
0x84: {  	v3 =	vadd.s32 @!p1 v0, v4  }
0x85: {  	[tilespmem:$0x0] =	vst @!p1 v2  }
0x86: {  	s28 =	simm.s32 @!p1 $0x200;
	[tilespmem:$0x40] =	vst @!p1 v3  }
0x87: {  	[tilespmem:s28], [sflag:$0x1] =	stream.indirect.gather @!p1 [hbm4b:s4+s29], $0x80, s31, s29, $0xb8;
	[tilespmem:$0x1C200] =	vst v63  }
0x88: {  	_ =	swait.ge [sflag:s23], $0x4000  }
0x89: {  	[sflag:s23] =	ssyncset.done $0x0  }
0x8a: {  	[sflag:s23] =	ssyncadd.s32 $0xFFFFC000  }
0x8b: {  	[spmem:s2] =	stream.indirect.scatter.add.f32 [tilespmem:s21], [sflag:$0x3], $0x80, s20, s18, $0xb8;
	[tilespmem:$0x1C200] =	vst v63  }
.Ltmp1:
0x8c: {  	_ = 	snop;
	(pc) =	sbr.rel @p0 .LBB2_4-.Ltmp1, $4  }
0x8d: {  	_ =	swait.ge [sflag:s17], $0x4000  }
0x8e: {  	s28 =	sadd.s32 s25, s15;
	[sflag:s17] =	ssyncset.done $0x0  }
0x8f: {  	s28 =	sadd.s32 $0x10, s28;
	[sflag:s17] =	ssyncadd.s32 $0xFFFFC000  }
0x90: {  	[tilespmem:s19], [sflag:$0x3] =	stream.linear.gather [hbm4b:s28+s3], $0x80, $0x38;
	[tilespmem:$0x1C200] =	vst v63  }
0x91: {  	_ =	swait.ge [sflag:s17], $0x80  }
0x92: {  	s26 =	sadd.s32 s25, s14;
	[sflag:s17] =	ssyncset.done $0x0  }
0x93: {  	s26 =	sadd.s32 $0x10, s26;
	[sflag:s17] =	ssyncadd.s32 $0xFFFFFF80  }
0x94: {  	[tilespmem:s20], [sflag:$0x3] =	stream.linear.gather [hbm4b:s26+s3], $0x80, $0x38;
	[tilespmem:$0x1C200] =	vst v63  }
0x95: {  	_ =	swait.ge [sflag:s17], $0x80  }
0x96: {  	[sflag:s17] =	ssyncset.done $0x0  }
0x97: {  	[sflag:s17] =	ssyncadd.s32 $0xFFFFFF80  }
0x98: {  	v2 =	vld [tilespmem:$0x140]  }
0x99: {  	v3 =	vld [tilespmem:$0x130]  }
0x9a: {  	v5 =	vld [tilespmem:$0x160]  }
0x9b: {  	v7 =	vld [tilespmem:$0x120]  }
0x9c: {  	v4 =	vld [tilespmem:$0x170]  }
0x9d: {  	v6 =	vld [tilespmem:$0x150];
	v2 =	vadd.s32 v0, v2  }
0x9e: {  	v8 =	vld [tilespmem:$0x100];
	v3 =	vadd.s32 v0, v3;
	[tilespmem:$0x140] =	vst v2  }
0x9f: {  	v62 =	vadd.s32 v0, v5;
	v2 =	vld [tilespmem:$0x110];
	[tilespmem:$0x130] =	vst v3  }
0xa0: {  	v63 =	vadd.s32 v0, v7;
	[tilespmem:$0x160] =	vst v62  }
0xa1: {  	v3 =	vadd.s32 v0, v4;
	[tilespmem:$0x120] =	vst v63  }
0xa2: {  	[tilespmem:$0x170] =	vst v3;
	v3 =	vadd.s32 v0, v6  }
0xa3: {  	[tilespmem:$0x150] =	vst v3;
	v3 =	vadd.s32 v0, v8  }
0xa4: {  	[tilespmem:$0x100] =	vst v3;
	v2 =	vadd.s32 v0, v2  }
0xa5: {  	[tilespmem:$0x110] =	vst v2  }
0xa6: {  	[tilespmem:s21], [sflag:$0x2] =	stream.indirect.gather [hbm4b:s4+s18], $0x80, s19, s18, $0xb8;
	[tilespmem:$0x1C200] =	vst v63  }
0xa7: {  	_ =	swait.ge [sflag:s22], $0x4000  }
0xa8: {  	[sflag:s22] =	ssyncset.done $0x0  }
0xa9: {  	[sflag:s22] =	ssyncadd.s32 $0xFFFFC000  }
0xaa: {  	[spmem:s2] =	stream.indirect.scatter.add.f32 [tilespmem:s16], [sflag:$0x3], $0x80, s18, s18, $0xb8;
	[tilespmem:$0x1C200] =	vst v63  }
0xab: {  	p0 =	seq.s32 s25, $0x9C0;
	_ =	swait.ge [sflag:s17], $0x4000  }
0xac: {  	s28 =	simm.s32 @!p0 $0x3;
	s26 =	sadd.s32 @!p0 s25, s15;
	[sflag:s17] =	ssyncset.done $0x0  }
0xad: {  	s29 =	simm.s32 @!p0 $0x0;
	s26 =	sadd.s32 @!p0 $0x20, s26;
	[sflag:s17] =	ssyncadd.s32 $0xFFFFC000  }
0xae: {  	[tilespmem:s29], [sflag:$0x3] =	stream.linear.gather @!p0 [hbm4b:s26+s29], $0x80, $0x38;
	[tilespmem:$0x1C200] =	vst v63  }
0xaf: {  	_ =	swait.ge @!p0 [sflag:s28], $0x80  }
0xb0: {  	s25 =	sadd.s32 @!p0 s25, s14;
	[sflag:s28] =	ssyncset.done @!p0 $0x0  }
0xb1: {  	s25 =	sadd.s32 @!p0 $0x20, s25;
	s26 =	simm.s32 @!p0 $0x80;
	[sflag:s28] =	ssyncadd.s32 @!p0 $0xFFFFFF80  }
0xb2: {  	[tilespmem:s26], [sflag:$0x3] =	stream.linear.gather @!p0 [hbm4b:s25+s29], $0x80, $0x38;
	[tilespmem:$0x1C200] =	vst v63  }
0xb3: {  	_ =	swait.ge @!p0 [sflag:s28], $0x80  }
0xb4: {  	[sflag:s28] =	ssyncset.done @!p0 $0x0  }
0xb5: {  	[sflag:s28] =	ssyncadd.s32 @!p0 $0xFFFFFF80  }
0xb6: {  	v2 =	vld @!p0 [tilespmem:$0x70]  }
0xb7: {  	v3 =	vld @!p0 [tilespmem:$0x60]  }
0xb8: {  	v4 =	vld @!p0 [tilespmem:$0x20]  }
0xb9: {  	v7 =	vld @!p0 [tilespmem:$0x10]  }
0xba: {  	v5 =	vld @!p0 [tilespmem:$0x30]  }
0xbb: {  	v6 =	vld @!p0 [tilespmem:$0x50];
	v2 =	vadd.s32 @!p0 v0, v2  }
0xbc: {  	v8 =	vld @!p0 [tilespmem:$0x0];
	v3 =	vadd.s32 @!p0 v0, v3;
	[tilespmem:$0x70] =	vst @!p0 v2  }
0xbd: {  	v2 =	vadd.s32 @!p0 v0, v4;
	v4 =	vld @!p0 [tilespmem:$0x40];
	[tilespmem:$0x60] =	vst @!p0 v3  }
0xbe: {  	v3 =	vadd.s32 @!p0 v0, v7;
	[tilespmem:$0x20] =	vst @!p0 v2  }
0xbf: {  	v2 =	vadd.s32 @!p0 v0, v5;
	[tilespmem:$0x10] =	vst @!p0 v3  }
0xc0: {  	[tilespmem:$0x30] =	vst @!p0 v2;
	v2 =	vadd.s32 @!p0 v0, v6  }
0xc1: {  	[tilespmem:$0x50] =	vst @!p0 v2;
	v2 =	vadd.s32 @!p0 v0, v8  }
0xc2: {  	[tilespmem:$0x0] =	vst @!p0 v2;
	v3 =	vadd.s32 @!p0 v0, v4  }
0xc3: {  	s25 =	simm.s32 @!p0 $0x200;
	[tilespmem:$0x40] =	vst @!p0 v3  }
0xc4: {  	[tilespmem:s25], [sflag:$0x1] =	stream.indirect.gather @!p0 [hbm4b:s4+s26], $0x80, s29, s26, $0xb8;
	[tilespmem:$0x1C200] =	vst v63  }
0xc5: {  	_ =	swait.ge [sflag:s23], $0x4000  }
0xc6: {  	[sflag:s23] =	ssyncset.done $0x0  }
0xc7: {  	[sflag:s23] =	ssyncadd.s32 $0xFFFFC000  }
0xc8: {  	[spmem:s2] =	stream.indirect.scatter.add.f32 [tilespmem:s21], [sflag:$0x3], $0x80, s20, s18, $0xb8;
	[tilespmem:$0x1C200] =	vst v63  }
0xc9: {  	_ =	swait.ge [sflag:s17], $0x4000  }
0xca: {  	s30 =	sshll.u32 s1, $0x6;
	s24 =	sadd.s32 $0x1, s24;
	[sflag:s17] =	ssyncset.done $0x0  }
0xcb: {  	s31 =	sshrl.u32 s5, $0x3;
	p0 =	sne.s32 s24, s13;
	[sflag:s17] =	ssyncadd.s32 $0xFFFFC000  }
.Ltmp2:
0xcc: {  	s25 =	sor.u32 $0x1C03, s30;
	[bflag:$0x0] =	sbarrier.arrive $0xFFFF;
	(pc) =	sbr.rel @p0 .LBB2_1-.Ltmp2, $4  }
0xcd: {  	[hbm:s12], [sflag:s25] =	dma.local [spmem:s31], $0x2800  }
0xce: {  	_ =	swait.ge [sflag:s17], $0x2800  }
0xcf: {  	[sflag:s17] =	ssyncset.done $0x0  }
0xd0: {  	[sflag:s17] =	ssyncadd.s32 $0xFFFFD800  }
0xd1: {  	_ =	sfence.sel $0x180000  }
0xd2: {  	[bflag:$0x0] =	sbarrier.arrive $0xFFFF  }
0xd3: {  	p0 =	sne.s32 s1, $0x0;
	_ =	strace $0x90000047  }
0xd4: {  	s0 =	sadd.s32 @!p0 $0x100000, s0;
	[bflag:$0x2] =	sbarrier.arrive $0xFFFF  }
0xd5: {  	[sflag:s0] =	ssyncadd.tile.s32 @!p0 $0x1;
	_ =	shalt  }
.Lfunc_end2:
_tile_overlayer_lowered:
.L_overlay_start_2:
0xd6: {  	(tag) =	ssettag $0x2  }
0xd7: {  	s0 =	rddreg [dreg:$0x0];
	s2 =	stileid.u32  }
0xd8: {  	s1 =	rddreg [dreg:$0x1];
	p0 =	sne.s32 s2, $0x0  }
0xd9: {  	s3 =	rddreg [dreg:$0x2];
	[bflag:$0x3] =	sbarrier.arrive $0xFFFF;
	s2 =	simm.s32 @!p0 $0x1C03  }
0xda: {  	[timem:s3], [sflag:s2] =	dma.local @!p0 [hbm:s0], s1  }
0xdb: {  	s0 =	simm.s32 @!p0 $0x3  }
0xdc: {  	_ =	swait.ge @!p0 [sflag:s0], s1  }
0xdd: {  	s1 =	ssub.s32 @!p0 $0x0, s1;
	[sflag:s0] =	ssyncset.done @!p0 $0x0  }
0xde: {  	[sflag:s0] =	ssyncadd.s32 @!p0 s1  }
0xdf: {  	[bflag:$0x3] =	sbarrier.arrive $0xFFFF  }
0xe0: {  	_ =	shalt  }

</sc_bundles>
